<compile_context>
chip_gen: v7x
topology: tpu7x:2x2x1
jax: 0.10.2.dev20260603
libtpu: 0.0.44.dev20260713+nightly
codegen_flags: <defaults>
</compile_context>

<pallas_src>
import functools

import jax
import jax.numpy as jnp
from jax import lax
from jax.experimental import pallas as pl
from jax.experimental.pallas import tpu as pltpu
from jax.experimental.pallas import tpu_sc as plsc

NUM_NEURONS = 10000
PERIOD = 32
D_FEAT = 128
LANES = 16
NW = 32
NTILE = 16
CH = 16
ROWS = CH * PERIOD
HR = 256
SR = ROWS - HR
NCHUNK = NUM_NEURONS // CH
STEPS = (NCHUNK + NW - 1) // NW
DW = D_FEAT // 2
NG = DW // LANES
FILL = (NUM_NEURONS + NTILE - 1) // NTILE


def _sc_segmean(src_i32, idx):
    mesh = plsc.VectorSubcoreMesh(core_axis_name="c", subcore_axis_name="s")

    @functools.partial(
        pl.kernel,
        mesh=mesh,
        compiler_params=pltpu.CompilerParams(use_tc_tiling_on_sc=False),
        out_type=jax.ShapeDtypeStruct((NUM_NEURONS, D_FEAT), jnp.float32),
        scratch_types=[
            pltpu.VMEM_SHARED((NUM_NEURONS, DW), jnp.int32),
            pltpu.VMEM((HR,), jnp.int32),
            pltpu.VMEM((HR,), jnp.int32),
            pltpu.VMEM((SR,), jnp.int32),
            pltpu.VMEM((SR,), jnp.int32),
            pltpu.VMEM((HR, DW), jnp.int32),
            pltpu.VMEM((HR, DW), jnp.int32),
            pltpu.VMEM((SR, DW), jnp.int32),
            pltpu.VMEM((SR, DW), jnp.int32),
            pltpu.VMEM((CH, D_FEAT), jnp.float32),
            pltpu.VMEM((CH, D_FEAT), jnp.float32),
            pltpu.SemaphoreType.DMA,
            pltpu.SemaphoreType.DMA,
            pltpu.SemaphoreType.DMA,
            pltpu.SemaphoreType.DMA,
            pltpu.SemaphoreType.DMA,
            pltpu.SemaphoreType.DMA,
            pltpu.SemaphoreType.DMA,
            pltpu.SemaphoreType.DMA,
            pltpu.SemaphoreType.DMA,
        ],
    )
    def k(src_hbm, idx_hbm, out_hbm, tbl_sh,
          idxh0, idxh1, idxs0, idxs1,
          rowsh0, rowsh1, rowss0, rowss1, out_v0, out_v1,
          fsem, isem0, isem1, gsemh0, gsemh1, gsems0, gsems1, osem0, osem1):
        idxh = (idxh0, idxh1)
        idxs = (idxs0, idxs1)
        rowsh = (rowsh0, rowsh1)
        rowss = (rowss0, rowss1)
        out_v = (out_v0, out_v1)
        isem = (isem0, isem1)
        gsemh = (gsemh0, gsemh1)
        gsems = (gsems0, gsems1)
        osem = (osem0, osem1)
        cid = lax.axis_index("c")
        sid = lax.axis_index("s")
        wid = sid * 2 + cid

        base = sid * FILL
        n = jnp.minimum(NUM_NEURONS - base, FILL)
        pltpu.async_copy(
            src_hbm.at[pl.ds(base, n)], tbl_sh.at[pl.ds(base, n)], fsem).wait()
        plsc.subcore_barrier()

        def issue(b, chunk):
            pltpu.async_copy(src_hbm.at[idxh[b]], rowsh[b], gsemh[b])
            pltpu.async_copy(tbl_sh.at[idxs[b]], rowss[b], gsems[b])

        for b in range(2):
            chunk = b * NW + wid
            pltpu.sync_copy(idx_hbm.at[pl.ds(chunk * ROWS, HR)], idxh[b])
            pltpu.sync_copy(idx_hbm.at[pl.ds(chunk * ROWS + HR, SR)], idxs[b])
            issue(b, chunk)

        def accumulate(b):
            for half, buf in ((0, rowsh[b]), (1, rowss[b])):
                @pl.loop(0, HR // PERIOD if half == 0 else SR // PERIOD)
                def _o(oo, buf=buf, half=half):
                    o = oo + (0 if half == 0 else HR // PERIOD)
                    rbase = oo * PERIOD

                    def body(r, accs, buf=buf, rbase=rbase):
                        new = list(accs)
                        for g in range(NG):
                            x = buf[rbase + r, pl.ds(g * LANES, LANES)]
                            lo = lax.bitcast_convert_type(
                                lax.shift_left(x, 16), jnp.float32)
                            hi = lax.bitcast_convert_type(x, jnp.float32)
                            new[g] = new[g] + lo
                            new[g + NG] = new[g + NG] + hi
                        return tuple(new)
                    accs = plsc.parallel_loop(
                        0, PERIOD, unroll=4,
                        carry=tuple(jnp.zeros((LANES,), jnp.float32)
                                    for _ in range(2 * NG)))(body)
                    for j in range(2 * NG):
                        out_v[b][o, pl.ds(j * LANES, LANES)] = accs[j]

        @pl.loop(0, STEPS // 2)
        def _t(t):
            for b in range(2):
                step = t * 2 + b
                chunk = step * NW + wid
                chunk2 = chunk + 2 * NW

                @pl.when(chunk < NCHUNK)
                def _():
                    pltpu.make_async_copy(
                        src_hbm.at[idxh[b]], rowsh[b], gsemh[b]).wait()
                    pltpu.make_async_copy(
                        tbl_sh.at[idxs[b]], rowss[b], gsems[b]).wait()

                    @pl.when(chunk2 < NCHUNK)
                    def _():
                        pltpu.async_copy(
                            idx_hbm.at[pl.ds(chunk2 * ROWS, HR)],
                            idxh[b], isem[b])
                        pltpu.async_copy(
                            idx_hbm.at[pl.ds(chunk2 * ROWS + HR, SR)],
                            idxs[b], isem[b])

                    @pl.when(t > 0)
                    def _():
                        pltpu.make_async_copy(
                            out_v[b], out_hbm.at[pl.ds(0, CH)], osem[b]).wait()

                    accumulate(b)

                    @pl.when(chunk2 < NCHUNK)
                    def _():
                        pltpu.make_async_copy(
                            idx_hbm.at[pl.ds(chunk2 * ROWS, HR)],
                            idxh[b], isem[b]).wait()
                        pltpu.make_async_copy(
                            idx_hbm.at[pl.ds(chunk2 * ROWS + HR, SR)],
                            idxs[b], isem[b]).wait()
                        issue(b, chunk2)

                    pltpu.async_copy(
                        out_v[b], out_hbm.at[pl.ds(chunk * CH, CH)], osem[b])

        for b in range(2):
            pltpu.make_async_copy(out_v[b], out_hbm.at[pl.ds(0, CH)], osem[b]).wait()

    return k(src_i32, idx)


def kernel(source, gather_indices):
    t_lo = source[:, :DW] * (1.0 / PERIOD)
    t_hi = source[:, DW:] * (1.0 / PERIOD)
    lo_u = lax.bitcast_convert_type(
        t_lo.astype(jnp.bfloat16), jnp.uint16).astype(jnp.uint32)
    h0 = lax.bitcast_convert_type(
        t_hi.astype(jnp.bfloat16), jnp.uint16).astype(jnp.uint32)

    def val(h):
        return lax.bitcast_convert_type(
            lax.shift_left(h, jnp.uint32(16)) | lo_u, jnp.float32)

    best = h0
    berr = jnp.abs(val(h0) - t_hi)
    for cand in (h0 - jnp.uint32(1), h0 + jnp.uint32(1)):
        cerr = jnp.abs(val(cand) - t_hi)
        best = jnp.where(cerr < berr, cand, best)
        berr = jnp.minimum(cerr, berr)
    src_i32 = lax.bitcast_convert_type(
        lax.shift_left(best, jnp.uint32(16)) | lo_u, jnp.int32)
    return _sc_segmean(src_i32, gather_indices.astype(jnp.int32))

# --- scband reference (transcript-rebuilt; emitter-appended) ---
"""Pipeline reference for scband-aggregation-layer-63050119905582 (READ-ONLY COPY).

The authoritative reference and input builder live on the scoring server;
editing this copy changes nothing except your own understanding.
"""

import jax, jax.numpy as jnp
import numpy as np

NUM_NEURONS = 10000
PERIOD = 32
D_FEAT = 128
N_GATHER = NUM_NEURONS * PERIOD  # 320000


def setup_inputs(seed: int = 0) -> dict:
    key = jax.random.key(seed)
    k1, k2 = jax.random.split(key)
    source = jax.random.normal(k1, (NUM_NEURONS, D_FEAT), dtype=jnp.float32)
    gather_indices = jax.random.randint(k2, (N_GATHER,), 0, NUM_NEURONS, dtype=jnp.int64)
    return {"source": source, "gather_indices": gather_indices}


def reference(source, gather_indices):
    # AggregationLayer fast path: all neurons have the same input count (PERIOD),
    # so gather + reshape + fixed-period aggregate (ViewWithPeriod + mean) applies.
    # 1) gather: build_optimal_multi_layer_gather_and_reshape -> take rows by ordinals
    x = jnp.take(source, gather_indices, axis=0)            # [N_GATHER, D_FEAT]
    # 2) reshape with period (matching dimension branch)
    x = x.reshape(NUM_NEURONS, PERIOD, D_FEAT)              # [num_neurons, period, d]
    # 3) aggregate: mean over the per-neuron input axis (segment reduce with
    #    uniform segment sizes lowered to a dense reduction)
    out = jnp.mean(x, axis=1)                               # [num_neurons, d]
    return out

if __name__ == "__main__":
    import jax
    _d = setup_inputs()
    print(jax.jit(kernel)(*tuple(_d.values())))

</pallas_src>

<mosaic_0001>
#map = affine_map<(d0, d1) -> (0, 0)>
#map1 = affine_map<(d0, d1) -> (0)>
module attributes {stable_mosaic.version = 14 : i64} {
  func.func @k(%arg0: i32, %arg1: i32, %arg2: memref<10000x64xi32, #tpu.memory_space<hbm>>, %arg3: memref<320000xi32, #tpu.memory_space<hbm>>, %arg4: memref<10000x128xf32, #tpu.memory_space<hbm>>, %arg5: memref<10000x64xi32, #tpu.memory_space<vmem_shared>>, %arg6: memref<256xi32, #tpu.memory_space<vmem>>, %arg7: memref<256xi32, #tpu.memory_space<vmem>>, %arg8: memref<256xi32, #tpu.memory_space<vmem>>, %arg9: memref<256xi32, #tpu.memory_space<vmem>>, %arg10: memref<256x64xi32, #tpu.memory_space<vmem>>, %arg11: memref<256x64xi32, #tpu.memory_space<vmem>>, %arg12: memref<256x64xi32, #tpu.memory_space<vmem>>, %arg13: memref<256x64xi32, #tpu.memory_space<vmem>>, %arg14: memref<16x128xf32, #tpu.memory_space<vmem>>, %arg15: memref<16x128xf32, #tpu.memory_space<vmem>>, %arg16: memref<!tpu.dma_semaphore, #tpu.memory_space<semaphore_mem>>, %arg17: memref<!tpu.dma_semaphore, #tpu.memory_space<semaphore_mem>>, %arg18: memref<!tpu.dma_semaphore, #tpu.memory_space<semaphore_mem>>, %arg19: memref<!tpu.dma_semaphore, #tpu.memory_space<semaphore_mem>>, %arg20: memref<!tpu.dma_semaphore, #tpu.memory_space<semaphore_mem>>, %arg21: memref<!tpu.dma_semaphore, #tpu.memory_space<semaphore_mem>>, %arg22: memref<!tpu.dma_semaphore, #tpu.memory_space<semaphore_mem>>, %arg23: memref<!tpu.dma_semaphore, #tpu.memory_space<semaphore_mem>>, %arg24: memref<!tpu.dma_semaphore, #tpu.memory_space<semaphore_mem>>) attributes {dimension_semantics = [#tpu.dimension_semantics<core_parallel>, #tpu.dimension_semantics<subcore_parallel>], iteration_bounds = array<i64: 2, 16>, scalar_prefetch = 0 : i64, scratch_operands = 20 : i64, tpu.core_type = #tpu.core_type<sc_vector_subcore>, window_params = [{transform_indices = #map}, {transform_indices = #map1}, {transform_indices = #map}]} {
    %mul3A = arith.constant 2 : i32
    %mul3A_0 = arith.muli %arg1, %mul3A : i32
    %add3A = arith.addi %mul3A_0, %arg0 : i32
    %mul3A_1 = arith.constant 625 : i32
    %mul3A_2 = arith.muli %arg1, %mul3A_1 : i32
    %sub3A = arith.constant 10000 : i32
    %sub3A_3 = arith.subi %sub3A, %mul3A_2 : i32
    %min3A = arith.constant 625 : i32
    %min3A_4 = arith.minsi %sub3A_3, %min3A : i32
    %dma_start3A = arith.constant 0 : i32
    %dma_start3A_5 = tpu.memref_slice %arg5[%mul3A_2, %dma_start3A] <%min3A_4> : memref<10000x64xi32, #tpu.memory_space<vmem_shared>> -> memref<?x64xi32, #tpu.memory_space<vmem_shared>>
    %dma_start3A_6 = arith.constant 0 : i32
    %dma_start3A_7 = tpu.memref_slice %arg2[%mul3A_2, %dma_start3A_6] <%min3A_4> : memref<10000x64xi32, #tpu.memory_space<hbm>> -> memref<?x64xi32, #tpu.memory_space<hbm>>
    tpu.enqueue_dma source(%dma_start3A_7 : memref<?x64xi32, #tpu.memory_space<hbm>>) target(%dma_start3A_5 : memref<?x64xi32, #tpu.memory_space<vmem_shared>>) target_semaphore(%arg16 : memref<!tpu.dma_semaphore, #tpu.memory_space<semaphore_mem>>)
    %dma_wait3A = arith.constant 0 : i32
    %dma_wait3A_8 = tpu.memref_slice %arg5[%mul3A_2, %dma_wait3A] <%min3A_4> : memref<10000x64xi32, #tpu.memory_space<vmem_shared>> -> memref<?x64xi32, #tpu.memory_space<vmem_shared>>
    %dma_wait3A_9 = arith.constant 0 : i32
    %dma_wait3A_10 = tpu.memref_slice %arg2[%mul3A_2, %dma_wait3A_9] <%min3A_4> : memref<10000x64xi32, #tpu.memory_space<hbm>> -> memref<?x64xi32, #tpu.memory_space<hbm>>
    tpu.wait_dma2 semaphore(%arg16 : memref<!tpu.dma_semaphore, #tpu.memory_space<semaphore_mem>>) src(%dma_wait3A_10 : memref<?x64xi32, #tpu.memory_space<hbm>>) dst(%dma_wait3A_8 : memref<?x64xi32, #tpu.memory_space<vmem_shared>>)
    %barrier3A = arith.constant 0 : index
    tpu.barrier barrier_id(%barrier3A)
    %add3A_11 = arith.constant 0 : i32
    %add3A_12 = arith.addi %add3A_11, %add3A : i32
    %mul3A_13 = arith.constant 512 : i32
    %mul3A_14 = arith.muli %add3A_12, %mul3A_13 : i32
    "tpu.region"() ({
      %run_scoped3A = tpu.sem_alloc : memref<!tpu.dma_semaphore, #tpu.memory_space<semaphore_mem>>
      %dma_start3A_55 = tpu.memref_slice %arg3[%mul3A_14] : memref<320000xi32, #tpu.memory_space<hbm>> -> memref<256xi32, #tpu.memory_space<hbm>>
      %dma_start3A_56 = tpu.memref_slice %arg3[%mul3A_14] : memref<320000xi32, #tpu.memory_space<hbm>> -> memref<256xi32, #tpu.memory_space<hbm>>
      tpu.enqueue_dma source(%dma_start3A_56 : memref<256xi32, #tpu.memory_space<hbm>>) target(%arg6 : memref<256xi32, #tpu.memory_space<vmem>>) target_semaphore(%run_scoped3A : memref<!tpu.dma_semaphore, #tpu.memory_space<semaphore_mem>>)
      %dma_wait3A_57 = tpu.memref_slice %arg3[%mul3A_14] : memref<320000xi32, #tpu.memory_space<hbm>> -> memref<256xi32, #tpu.memory_space<hbm>>
      %dma_wait3A_58 = tpu.memref_slice %arg3[%mul3A_14] : memref<320000xi32, #tpu.memory_space<hbm>> -> memref<256xi32, #tpu.memory_space<hbm>>
      tpu.wait_dma2 semaphore(%run_scoped3A : memref<!tpu.dma_semaphore, #tpu.memory_space<semaphore_mem>>) src(%dma_wait3A_58 : memref<256xi32, #tpu.memory_space<hbm>>) dst(%arg6 : memref<256xi32, #tpu.memory_space<vmem>>)
      tpu.yield
    }) : () -> ()
    %mul3A_15 = arith.constant 512 : i32
    %mul3A_16 = arith.muli %add3A_12, %mul3A_15 : i32
    %add3A_17 = arith.constant 256 : i32
    %add3A_18 = arith.addi %mul3A_16, %add3A_17 : i32
    "tpu.region"() ({
      %run_scoped3A = tpu.sem_alloc : memref<!tpu.dma_semaphore, #tpu.memory_space<semaphore_mem>>
      %dma_start3A_55 = tpu.memref_slice %arg3[%add3A_18] : memref<320000xi32, #tpu.memory_space<hbm>> -> memref<256xi32, #tpu.memory_space<hbm>>
      %dma_start3A_56 = tpu.memref_slice %arg3[%add3A_18] : memref<320000xi32, #tpu.memory_space<hbm>> -> memref<256xi32, #tpu.memory_space<hbm>>
      tpu.enqueue_dma source(%dma_start3A_56 : memref<256xi32, #tpu.memory_space<hbm>>) target(%arg8 : memref<256xi32, #tpu.memory_space<vmem>>) target_semaphore(%run_scoped3A : memref<!tpu.dma_semaphore, #tpu.memory_space<semaphore_mem>>)
      %dma_wait3A_57 = tpu.memref_slice %arg3[%add3A_18] : memref<320000xi32, #tpu.memory_space<hbm>> -> memref<256xi32, #tpu.memory_space<hbm>>
      %dma_wait3A_58 = tpu.memref_slice %arg3[%add3A_18] : memref<320000xi32, #tpu.memory_space<hbm>> -> memref<256xi32, #tpu.memory_space<hbm>>
      tpu.wait_dma2 semaphore(%run_scoped3A : memref<!tpu.dma_semaphore, #tpu.memory_space<semaphore_mem>>) src(%dma_wait3A_58 : memref<256xi32, #tpu.memory_space<hbm>>) dst(%arg8 : memref<256xi32, #tpu.memory_space<vmem>>)
      tpu.yield
    }) : () -> ()
    %dma_start3A_19 = arith.constant 0 : i32
    %dma_start3A_20 = arith.constant 0 : i32
    %dma_start3A_21 = tpu.memref_slice %arg2[%dma_start3A_19, %dma_start3A_20] : memref<10000x64xi32, #tpu.memory_space<hbm>> -> memref<10000x64xi32, #tpu.memory_space<hbm>>
    tpu.enqueue_indirect_dma source(%dma_start3A_21 : memref<10000x64xi32, #tpu.memory_space<hbm>>) target(%arg10 : memref<256x64xi32, #tpu.memory_space<vmem>>) offsets(%arg6 : memref<256xi32, #tpu.memory_space<vmem>>) semaphore(%arg19 : memref<!tpu.dma_semaphore, #tpu.memory_space<semaphore_mem>>)
    %dma_start3A_22 = arith.constant 0 : i32
    %dma_start3A_23 = arith.constant 0 : i32
    %dma_start3A_24 = tpu.memref_slice %arg5[%dma_start3A_22, %dma_start3A_23] : memref<10000x64xi32, #tpu.memory_space<vmem_shared>> -> memref<10000x64xi32, #tpu.memory_space<vmem_shared>>
    tpu.enqueue_indirect_dma source(%dma_start3A_24 : memref<10000x64xi32, #tpu.memory_space<vmem_shared>>) target(%arg12 : memref<256x64xi32, #tpu.memory_space<vmem>>) offsets(%arg8 : memref<256xi32, #tpu.memory_space<vmem>>) semaphore(%arg21 : memref<!tpu.dma_semaphore, #tpu.memory_space<semaphore_mem>>)
    %add3A_25 = arith.constant 32 : i32
    %add3A_26 = arith.addi %add3A_25, %add3A : i32
    %mul3A_27 = arith.constant 512 : i32
    %mul3A_28 = arith.muli %add3A_26, %mul3A_27 : i32
    "tpu.region"() ({
      %run_scoped3A = tpu.sem_alloc : memref<!tpu.dma_semaphore, #tpu.memory_space<semaphore_mem>>
      %dma_start3A_55 = tpu.memref_slice %arg3[%mul3A_28] : memref<320000xi32, #tpu.memory_space<hbm>> -> memref<256xi32, #tpu.memory_space<hbm>>
      %dma_start3A_56 = tpu.memref_slice %arg3[%mul3A_28] : memref<320000xi32, #tpu.memory_space<hbm>> -> memref<256xi32, #tpu.memory_space<hbm>>
      tpu.enqueue_dma source(%dma_start3A_56 : memref<256xi32, #tpu.memory_space<hbm>>) target(%arg7 : memref<256xi32, #tpu.memory_space<vmem>>) target_semaphore(%run_scoped3A : memref<!tpu.dma_semaphore, #tpu.memory_space<semaphore_mem>>)
      %dma_wait3A_57 = tpu.memref_slice %arg3[%mul3A_28] : memref<320000xi32, #tpu.memory_space<hbm>> -> memref<256xi32, #tpu.memory_space<hbm>>
      %dma_wait3A_58 = tpu.memref_slice %arg3[%mul3A_28] : memref<320000xi32, #tpu.memory_space<hbm>> -> memref<256xi32, #tpu.memory_space<hbm>>
      tpu.wait_dma2 semaphore(%run_scoped3A : memref<!tpu.dma_semaphore, #tpu.memory_space<semaphore_mem>>) src(%dma_wait3A_58 : memref<256xi32, #tpu.memory_space<hbm>>) dst(%arg7 : memref<256xi32, #tpu.memory_space<vmem>>)
      tpu.yield
    }) : () -> ()
    %mul3A_29 = arith.constant 512 : i32
    %mul3A_30 = arith.muli %add3A_26, %mul3A_29 : i32
    %add3A_31 = arith.constant 256 : i32
    %add3A_32 = arith.addi %mul3A_30, %add3A_31 : i32
    "tpu.region"() ({
      %run_scoped3A = tpu.sem_alloc : memref<!tpu.dma_semaphore, #tpu.memory_space<semaphore_mem>>
      %dma_start3A_55 = tpu.memref_slice %arg3[%add3A_32] : memref<320000xi32, #tpu.memory_space<hbm>> -> memref<256xi32, #tpu.memory_space<hbm>>
      %dma_start3A_56 = tpu.memref_slice %arg3[%add3A_32] : memref<320000xi32, #tpu.memory_space<hbm>> -> memref<256xi32, #tpu.memory_space<hbm>>
      tpu.enqueue_dma source(%dma_start3A_56 : memref<256xi32, #tpu.memory_space<hbm>>) target(%arg9 : memref<256xi32, #tpu.memory_space<vmem>>) target_semaphore(%run_scoped3A : memref<!tpu.dma_semaphore, #tpu.memory_space<semaphore_mem>>)
      %dma_wait3A_57 = tpu.memref_slice %arg3[%add3A_32] : memref<320000xi32, #tpu.memory_space<hbm>> -> memref<256xi32, #tpu.memory_space<hbm>>
      %dma_wait3A_58 = tpu.memref_slice %arg3[%add3A_32] : memref<320000xi32, #tpu.memory_space<hbm>> -> memref<256xi32, #tpu.memory_space<hbm>>
      tpu.wait_dma2 semaphore(%run_scoped3A : memref<!tpu.dma_semaphore, #tpu.memory_space<semaphore_mem>>) src(%dma_wait3A_58 : memref<256xi32, #tpu.memory_space<hbm>>) dst(%arg9 : memref<256xi32, #tpu.memory_space<vmem>>)
      tpu.yield
    }) : () -> ()
    %dma_start3A_33 = arith.constant 0 : i32
    %dma_start3A_34 = arith.constant 0 : i32
    %dma_start3A_35 = tpu.memref_slice %arg2[%dma_start3A_33, %dma_start3A_34] : memref<10000x64xi32, #tpu.memory_space<hbm>> -> memref<10000x64xi32, #tpu.memory_space<hbm>>
    tpu.enqueue_indirect_dma source(%dma_start3A_35 : memref<10000x64xi32, #tpu.memory_space<hbm>>) target(%arg11 : memref<256x64xi32, #tpu.memory_space<vmem>>) offsets(%arg7 : memref<256xi32, #tpu.memory_space<vmem>>) semaphore(%arg20 : memref<!tpu.dma_semaphore, #tpu.memory_space<semaphore_mem>>)
    %dma_start3A_36 = arith.constant 0 : i32
    %dma_start3A_37 = arith.constant 0 : i32
    %dma_start3A_38 = tpu.memref_slice %arg5[%dma_start3A_36, %dma_start3A_37] : memref<10000x64xi32, #tpu.memory_space<vmem_shared>> -> memref<10000x64xi32, #tpu.memory_space<vmem_shared>>
    tpu.enqueue_indirect_dma source(%dma_start3A_38 : memref<10000x64xi32, #tpu.memory_space<vmem_shared>>) target(%arg13 : memref<256x64xi32, #tpu.memory_space<vmem>>) offsets(%arg9 : memref<256xi32, #tpu.memory_space<vmem>>) semaphore(%arg22 : memref<!tpu.dma_semaphore, #tpu.memory_space<semaphore_mem>>)
    %scan3A = arith.constant 0 : i32
    %scan3A_39 = arith.constant 10 : i32
    %scan3A_40 = arith.addi %scan3A, %scan3A_39 : i32
    %scan3A_41 = arith.constant 1 : i32
    scf.for %scan3A_55 = %scan3A to %scan3A_40 step %scan3A_41  : i32 {
      %mul3A_56 = arith.constant 1 : i32
      %mul3A_57 = arith.muli %scan3A_55, %mul3A_56 : i32
      %add3A_58 = arith.constant 0 : i32
      %add3A_59 = arith.addi %add3A_58, %mul3A_57 : i32
      %mul3A_60 = arith.constant 2 : i32
      %mul3A_61 = arith.muli %add3A_59, %mul3A_60 : i32
      %add3A_62 = arith.constant 0 : i32
      %add3A_63 = arith.addi %mul3A_61, %add3A_62 : i32
      %mul3A_64 = arith.constant 32 : i32
      %mul3A_65 = arith.muli %add3A_63, %mul3A_64 : i32
      %add3A_66 = arith.addi %mul3A_65, %add3A : i32
      %add3A_67 = arith.constant 64 : i32
      %add3A_68 = arith.addi %add3A_66, %add3A_67 : i32
      %lt3A = arith.constant 625 : i32
      %lt3A_69 = arith.cmpi slt, %add3A_66, %lt3A : i32
      %convert_element_type3A = arith.extui %lt3A_69 : i1 to i32
      %cond3A = arith.constant 0 : i32
      %cond3A_70 = arith.cmpi ne, %convert_element_type3A, %cond3A : i32
      scf.if %cond3A_70 {
        %dma_wait3A_85 = arith.constant 0 : i32
        %dma_wait3A_86 = arith.constant 0 : i32
        %dma_wait3A_87 = tpu.memref_slice %arg2[%dma_wait3A_85, %dma_wait3A_86] : memref<10000x64xi32, #tpu.memory_space<hbm>> -> memref<10000x64xi32, #tpu.memory_space<hbm>>
        tpu.wait_indirect_dma semaphore(%arg19 : memref<!tpu.dma_semaphore, #tpu.memory_space<semaphore_mem>>) src(%dma_wait3A_87 : memref<10000x64xi32, #tpu.memory_space<hbm>>) dst(%arg10 : memref<256x64xi32, #tpu.memory_space<vmem>>)
        %dma_wait3A_88 = arith.constant 0 : i32
        %dma_wait3A_89 = arith.constant 0 : i32
        %dma_wait3A_90 = tpu.memref_slice %arg5[%dma_wait3A_88, %dma_wait3A_89] : memref<10000x64xi32, #tpu.memory_space<vmem_shared>> -> memref<10000x64xi32, #tpu.memory_space<vmem_shared>>
        tpu.wait_indirect_dma semaphore(%arg21 : memref<!tpu.dma_semaphore, #tpu.memory_space<semaphore_mem>>) src(%dma_wait3A_90 : memref<10000x64xi32, #tpu.memory_space<vmem_shared>>) dst(%arg12 : memref<256x64xi32, #tpu.memory_space<vmem>>)
        %lt3A_91 = arith.constant 625 : i32
        %lt3A_92 = arith.cmpi slt, %add3A_68, %lt3A_91 : i32
        %convert_element_type3A_93 = arith.extui %lt3A_92 : i1 to i32
        %cond3A_94 = arith.constant 0 : i32
        %cond3A_95 = arith.cmpi ne, %convert_element_type3A_93, %cond3A_94 : i32
        scf.if %cond3A_95 {
          %mul3A_121 = arith.constant 512 : i32
          %mul3A_122 = arith.muli %add3A_68, %mul3A_121 : i32
          %dma_start3A_123 = tpu.memref_slice %arg3[%mul3A_122] : memref<320000xi32, #tpu.memory_space<hbm>> -> memref<256xi32, #tpu.memory_space<hbm>>
          %dma_start3A_124 = tpu.memref_slice %arg3[%mul3A_122] : memref<320000xi32, #tpu.memory_space<hbm>> -> memref<256xi32, #tpu.memory_space<hbm>>
          tpu.enqueue_dma source(%dma_start3A_124 : memref<256xi32, #tpu.memory_space<hbm>>) target(%arg6 : memref<256xi32, #tpu.memory_space<vmem>>) target_semaphore(%arg17 : memref<!tpu.dma_semaphore, #tpu.memory_space<semaphore_mem>>)
          %mul3A_125 = arith.constant 512 : i32
          %mul3A_126 = arith.muli %add3A_68, %mul3A_125 : i32
          %add3A_127 = arith.constant 256 : i32
          %add3A_128 = arith.addi %mul3A_126, %add3A_127 : i32
          %dma_start3A_129 = tpu.memref_slice %arg3[%add3A_128] : memref<320000xi32, #tpu.memory_space<hbm>> -> memref<256xi32, #tpu.memory_space<hbm>>
          %dma_start3A_130 = tpu.memref_slice %arg3[%add3A_128] : memref<320000xi32, #tpu.memory_space<hbm>> -> memref<256xi32, #tpu.memory_space<hbm>>
          tpu.enqueue_dma source(%dma_start3A_130 : memref<256xi32, #tpu.memory_space<hbm>>) target(%arg8 : memref<256xi32, #tpu.memory_space<vmem>>) target_semaphore(%arg17 : memref<!tpu.dma_semaphore, #tpu.memory_space<semaphore_mem>>)
        } else {
        }
        %gt3A = arith.constant 0 : i32
        %gt3A_96 = arith.cmpi sgt, %add3A_59, %gt3A : i32
        %convert_element_type3A_97 = arith.extui %gt3A_96 : i1 to i32
        %cond3A_98 = arith.constant 0 : i32
        %cond3A_99 = arith.cmpi ne, %convert_element_type3A_97, %cond3A_98 : i32
        scf.if %cond3A_99 {
          %dma_wait3A_121 = arith.constant 0 : i32
          %dma_wait3A_122 = arith.constant 0 : i32
          %dma_wait3A_123 = tpu.memref_slice %arg4[%dma_wait3A_121, %dma_wait3A_122] : memref<10000x128xf32, #tpu.memory_space<hbm>> -> memref<16x128xf32, #tpu.memory_space<hbm>>
          %dma_wait3A_124 = arith.constant 0 : i32
          %dma_wait3A_125 = arith.constant 0 : i32
          %dma_wait3A_126 = tpu.memref_slice %arg4[%dma_wait3A_124, %dma_wait3A_125] : memref<10000x128xf32, #tpu.memory_space<hbm>> -> memref<16x128xf32, #tpu.memory_space<hbm>>
          tpu.wait_dma2 semaphore(%arg23 : memref<!tpu.dma_semaphore, #tpu.memory_space<semaphore_mem>>) src(%arg14 : memref<16x128xf32, #tpu.memory_space<vmem>>) dst(%dma_wait3A_126 : memref<16x128xf32, #tpu.memory_space<hbm>>)
        } else {
        }
        %scan3A_100 = arith.constant 0 : i32
        %scan3A_101 = arith.constant 8 : i32
        %scan3A_102 = arith.addi %scan3A_100, %scan3A_101 : i32
        %scan3A_103 = arith.constant 1 : i32
        scf.for %scan3A_121 = %scan3A_100 to %scan3A_102 step %scan3A_103  : i32 {
          %mul3A_122 = arith.constant 1 : i32
          %mul3A_123 = arith.muli %scan3A_121, %mul3A_122 : i32
          %add3A_124 = arith.constant 0 : i32
          %add3A_125 = arith.addi %add3A_124, %mul3A_123 : i32
          %add3A_126 = arith.constant 0 : i32
          %add3A_127 = arith.addi %add3A_125, %add3A_126 : i32
          %mul3A_128 = arith.constant 32 : i32
          %mul3A_129 = arith.muli %add3A_125, %mul3A_128 : i32
          %broadcast_in_dim3A = arith.constant 0.000000e+00 : f32
          %broadcast_in_dim3A_130 = vector.broadcast %broadcast_in_dim3A : f32 to vector<16xf32>
          %broadcast_in_dim3A_131 = arith.constant 0.000000e+00 : f32
          %broadcast_in_dim3A_132 = vector.broadcast %broadcast_in_dim3A_131 : f32 to vector<16xf32>
          %broadcast_in_dim3A_133 = arith.constant 0.000000e+00 : f32
          %broadcast_in_dim3A_134 = vector.broadcast %broadcast_in_dim3A_133 : f32 to vector<16xf32>
          %broadcast_in_dim3A_135 = arith.constant 0.000000e+00 : f32
          %broadcast_in_dim3A_136 = vector.broadcast %broadcast_in_dim3A_135 : f32 to vector<16xf32>
          %broadcast_in_dim3A_137 = arith.constant 0.000000e+00 : f32
          %broadcast_in_dim3A_138 = vector.broadcast %broadcast_in_dim3A_137 : f32 to vector<16xf32>
          %broadcast_in_dim3A_139 = arith.constant 0.000000e+00 : f32
          %broadcast_in_dim3A_140 = vector.broadcast %broadcast_in_dim3A_139 : f32 to vector<16xf32>
          %broadcast_in_dim3A_141 = arith.constant 0.000000e+00 : f32
          %broadcast_in_dim3A_142 = vector.broadcast %broadcast_in_dim3A_141 : f32 to vector<16xf32>
          %broadcast_in_dim3A_143 = arith.constant 0.000000e+00 : f32
          %broadcast_in_dim3A_144 = vector.broadcast %broadcast_in_dim3A_143 : f32 to vector<16xf32>
          %parallel_loop3A = arith.constant 0 : i32
          %parallel_loop3A_145 = arith.constant 32 : i32
          %parallel_loop3A_146 = arith.constant 1 : i32
          %parallel_loop3A_147:8 = scf.for %parallel_loop3A_187 = %parallel_loop3A to %parallel_loop3A_145 step %parallel_loop3A_146 iter_args(%parallel_loop3A_188 = %broadcast_in_dim3A_130, %parallel_loop3A_189 = %broadcast_in_dim3A_132, %parallel_loop3A_190 = %broadcast_in_dim3A_134, %parallel_loop3A_191 = %broadcast_in_dim3A_136, %parallel_loop3A_192 = %broadcast_in_dim3A_138, %parallel_loop3A_193 = %broadcast_in_dim3A_140, %parallel_loop3A_194 = %broadcast_in_dim3A_142, %parallel_loop3A_195 = %broadcast_in_dim3A_144) -> (vector<16xf32>, vector<16xf32>, vector<16xf32>, vector<16xf32>, vector<16xf32>, vector<16xf32>, vector<16xf32>, vector<16xf32>)  : i32 {
            %parallel_loop3A_196 = arith.addi %mul3A_129, %parallel_loop3A_187 : i32
            %parallel_loop3A_197 = arith.index_cast %parallel_loop3A_196 : i32 to index
            %parallel_loop3A_198 = arith.constant 0 : index
            %parallel_loop3A_199 = tpu.vector_load %arg10[%parallel_loop3A_197, %parallel_loop3A_198] {strides = array<i32>} : memref<256x64xi32, #tpu.memory_space<vmem>>, vector<1x16xi32>,
            %parallel_loop3A_200 = vector.shape_cast %parallel_loop3A_199 : vector<1x16xi32> to vector<16xi32>
            %parallel_loop3A_201 = arith.constant 16 : i32
            %parallel_loop3A_202 = vector.broadcast %parallel_loop3A_201 : i32 to vector<16xi32>
            %parallel_loop3A_203 = arith.shli %parallel_loop3A_200, %parallel_loop3A_202 : vector<16xi32>
            %parallel_loop3A_204 = tpu.bitcast %parallel_loop3A_203 : vector<16xi32> -> vector<16xf32>
            %parallel_loop3A_205 = tpu.bitcast %parallel_loop3A_200 : vector<16xi32> -> vector<16xf32>
            %parallel_loop3A_206 = arith.addf %parallel_loop3A_188, %parallel_loop3A_204 : vector<16xf32>
            %parallel_loop3A_207 = arith.addf %parallel_loop3A_192, %parallel_loop3A_205 : vector<16xf32>
            %parallel_loop3A_208 = arith.addi %mul3A_129, %parallel_loop3A_187 : i32
            %parallel_loop3A_209 = arith.index_cast %parallel_loop3A_208 : i32 to index
            %parallel_loop3A_210 = arith.constant 16 : index
            %parallel_loop3A_211 = tpu.vector_load %arg10[%parallel_loop3A_209, %parallel_loop3A_210] {strides = array<i32>} : memref<256x64xi32, #tpu.memory_space<vmem>>, vector<1x16xi32>,
            %parallel_loop3A_212 = vector.shape_cast %parallel_loop3A_211 : vector<1x16xi32> to vector<16xi32>
            %parallel_loop3A_213 = arith.constant 16 : i32
            %parallel_loop3A_214 = vector.broadcast %parallel_loop3A_213 : i32 to vector<16xi32>
            %parallel_loop3A_215 = arith.shli %parallel_loop3A_212, %parallel_loop3A_214 : vector<16xi32>
            %parallel_loop3A_216 = tpu.bitcast %parallel_loop3A_215 : vector<16xi32> -> vector<16xf32>
            %parallel_loop3A_217 = tpu.bitcast %parallel_loop3A_212 : vector<16xi32> -> vector<16xf32>
            %parallel_loop3A_218 = arith.addf %parallel_loop3A_189, %parallel_loop3A_216 : vector<16xf32>
            %parallel_loop3A_219 = arith.addf %parallel_loop3A_193, %parallel_loop3A_217 : vector<16xf32>
            %parallel_loop3A_220 = arith.addi %mul3A_129, %parallel_loop3A_187 : i32
            %parallel_loop3A_221 = arith.index_cast %parallel_loop3A_220 : i32 to index
            %parallel_loop3A_222 = arith.constant 32 : index
            %parallel_loop3A_223 = tpu.vector_load %arg10[%parallel_loop3A_221, %parallel_loop3A_222] {strides = array<i32>} : memref<256x64xi32, #tpu.memory_space<vmem>>, vector<1x16xi32>,
            %parallel_loop3A_224 = vector.shape_cast %parallel_loop3A_223 : vector<1x16xi32> to vector<16xi32>
            %parallel_loop3A_225 = arith.constant 16 : i32
            %parallel_loop3A_226 = vector.broadcast %parallel_loop3A_225 : i32 to vector<16xi32>
            %parallel_loop3A_227 = arith.shli %parallel_loop3A_224, %parallel_loop3A_226 : vector<16xi32>
            %parallel_loop3A_228 = tpu.bitcast %parallel_loop3A_227 : vector<16xi32> -> vector<16xf32>
            %parallel_loop3A_229 = tpu.bitcast %parallel_loop3A_224 : vector<16xi32> -> vector<16xf32>
            %parallel_loop3A_230 = arith.addf %parallel_loop3A_190, %parallel_loop3A_228 : vector<16xf32>
            %parallel_loop3A_231 = arith.addf %parallel_loop3A_194, %parallel_loop3A_229 : vector<16xf32>
            %parallel_loop3A_232 = arith.addi %mul3A_129, %parallel_loop3A_187 : i32
            %parallel_loop3A_233 = arith.index_cast %parallel_loop3A_232 : i32 to index
            %parallel_loop3A_234 = arith.constant 48 : index
            %parallel_loop3A_235 = tpu.vector_load %arg10[%parallel_loop3A_233, %parallel_loop3A_234] {strides = array<i32>} : memref<256x64xi32, #tpu.memory_space<vmem>>, vector<1x16xi32>,
            %parallel_loop3A_236 = vector.shape_cast %parallel_loop3A_235 : vector<1x16xi32> to vector<16xi32>
            %parallel_loop3A_237 = arith.constant 16 : i32
            %parallel_loop3A_238 = vector.broadcast %parallel_loop3A_237 : i32 to vector<16xi32>
            %parallel_loop3A_239 = arith.shli %parallel_loop3A_236, %parallel_loop3A_238 : vector<16xi32>
            %parallel_loop3A_240 = tpu.bitcast %parallel_loop3A_239 : vector<16xi32> -> vector<16xf32>
            %parallel_loop3A_241 = tpu.bitcast %parallel_loop3A_236 : vector<16xi32> -> vector<16xf32>
            %parallel_loop3A_242 = arith.addf %parallel_loop3A_191, %parallel_loop3A_240 : vector<16xf32>
            %parallel_loop3A_243 = arith.addf %parallel_loop3A_195, %parallel_loop3A_241 : vector<16xf32>
            scf.yield %parallel_loop3A_206, %parallel_loop3A_218, %parallel_loop3A_230, %parallel_loop3A_242, %parallel_loop3A_207, %parallel_loop3A_219, %parallel_loop3A_231, %parallel_loop3A_243 : vector<16xf32>, vector<16xf32>, vector<16xf32>, vector<16xf32>, vector<16xf32>, vector<16xf32>, vector<16xf32>, vector<16xf32>
          } {sc.loop_unroll_factor = 4 : i64, sc.parallel_access}
          %swap3A = arith.index_cast %add3A_127 : i32 to index
          %swap3A_148 = arith.constant 0 : index
          %swap3A_149 = tpu.vector_load %arg14[%swap3A, %swap3A_148] {strides = array<i32>} : memref<16x128xf32, #tpu.memory_space<vmem>>, vector<1x16xf32>,
          %swap3A_150 = vector.shape_cast %swap3A_149 : vector<1x16xf32> to vector<16xf32>
          %swap3A_151 = vector.shape_cast %parallel_loop3A_147#0 : vector<16xf32> to vector<1x16xf32>
          tpu.vector_store %arg14[%swap3A, %swap3A_148], %swap3A_151 {strides = array<i32>} : memref<16x128xf32, #tpu.memory_space<vmem>>, vector<1x16xf32>,
          %swap3A_152 = arith.index_cast %add3A_127 : i32 to index
          %swap3A_153 = arith.constant 16 : index
          %swap3A_154 = tpu.vector_load %arg14[%swap3A_152, %swap3A_153] {strides = array<i32>} : memref<16x128xf32, #tpu.memory_space<vmem>>, vector<1x16xf32>,
          %swap3A_155 = vector.shape_cast %swap3A_154 : vector<1x16xf32> to vector<16xf32>
          %swap3A_156 = vector.shape_cast %parallel_loop3A_147#1 : vector<16xf32> to vector<1x16xf32>
          tpu.vector_store %arg14[%swap3A_152, %swap3A_153], %swap3A_156 {strides = array<i32>} : memref<16x128xf32, #tpu.memory_space<vmem>>, vector<1x16xf32>,
          %swap3A_157 = arith.index_cast %add3A_127 : i32 to index
          %swap3A_158 = arith.constant 32 : index
          %swap3A_159 = tpu.vector_load %arg14[%swap3A_157, %swap3A_158] {strides = array<i32>} : memref<16x128xf32, #tpu.memory_space<vmem>>, vector<1x16xf32>,
          %swap3A_160 = vector.shape_cast %swap3A_159 : vector<1x16xf32> to vector<16xf32>
          %swap3A_161 = vector.shape_cast %parallel_loop3A_147#2 : vector<16xf32> to vector<1x16xf32>
          tpu.vector_store %arg14[%swap3A_157, %swap3A_158], %swap3A_161 {strides = array<i32>} : memref<16x128xf32, #tpu.memory_space<vmem>>, vector<1x16xf32>,
          %swap3A_162 = arith.index_cast %add3A_127 : i32 to index
          %swap3A_163 = arith.constant 48 : index
          %swap3A_164 = tpu.vector_load %arg14[%swap3A_162, %swap3A_163] {strides = array<i32>} : memref<16x128xf32, #tpu.memory_space<vmem>>, vector<1x16xf32>,
          %swap3A_165 = vector.shape_cast %swap3A_164 : vector<1x16xf32> to vector<16xf32>
          %swap3A_166 = vector.shape_cast %parallel_loop3A_147#3 : vector<16xf32> to vector<1x16xf32>
          tpu.vector_store %arg14[%swap3A_162, %swap3A_163], %swap3A_166 {strides = array<i32>} : memref<16x128xf32, #tpu.memory_space<vmem>>, vector<1x16xf32>,
          %swap3A_167 = arith.index_cast %add3A_127 : i32 to index
          %swap3A_168 = arith.constant 64 : index
          %swap3A_169 = tpu.vector_load %arg14[%swap3A_167, %swap3A_168] {strides = array<i32>} : memref<16x128xf32, #tpu.memory_space<vmem>>, vector<1x16xf32>,
          %swap3A_170 = vector.shape_cast %swap3A_169 : vector<1x16xf32> to vector<16xf32>
          %swap3A_171 = vector.shape_cast %parallel_loop3A_147#4 : vector<16xf32> to vector<1x16xf32>
          tpu.vector_store %arg14[%swap3A_167, %swap3A_168], %swap3A_171 {strides = array<i32>} : memref<16x128xf32, #tpu.memory_space<vmem>>, vector<1x16xf32>,
          %swap3A_172 = arith.index_cast %add3A_127 : i32 to index
          %swap3A_173 = arith.constant 80 : index
          %swap3A_174 = tpu.vector_load %arg14[%swap3A_172, %swap3A_173] {strides = array<i32>} : memref<16x128xf32, #tpu.memory_space<vmem>>, vector<1x16xf32>,
          %swap3A_175 = vector.shape_cast %swap3A_174 : vector<1x16xf32> to vector<16xf32>
          %swap3A_176 = vector.shape_cast %parallel_loop3A_147#5 : vector<16xf32> to vector<1x16xf32>
          tpu.vector_store %arg14[%swap3A_172, %swap3A_173], %swap3A_176 {strides = array<i32>} : memref<16x128xf32, #tpu.memory_space<vmem>>, vector<1x16xf32>,
          %swap3A_177 = arith.index_cast %add3A_127 : i32 to index
          %swap3A_178 = arith.constant 96 : index
          %swap3A_179 = tpu.vector_load %arg14[%swap3A_177, %swap3A_178] {strides = array<i32>} : memref<16x128xf32, #tpu.memory_space<vmem>>, vector<1x16xf32>,
          %swap3A_180 = vector.shape_cast %swap3A_179 : vector<1x16xf32> to vector<16xf32>
          %swap3A_181 = vector.shape_cast %parallel_loop3A_147#6 : vector<16xf32> to vector<1x16xf32>
          tpu.vector_store %arg14[%swap3A_177, %swap3A_178], %swap3A_181 {strides = array<i32>} : memref<16x128xf32, #tpu.memory_space<vmem>>, vector<1x16xf32>,
          %swap3A_182 = arith.index_cast %add3A_127 : i32 to index
          %swap3A_183 = arith.constant 112 : index
          %swap3A_184 = tpu.vector_load %arg14[%swap3A_182, %swap3A_183] {strides = array<i32>} : memref<16x128xf32, #tpu.memory_space<vmem>>, vector<1x16xf32>,
          %swap3A_185 = vector.shape_cast %swap3A_184 : vector<1x16xf32> to vector<16xf32>
          %swap3A_186 = vector.shape_cast %parallel_loop3A_147#7 : vector<16xf32> to vector<1x16xf32>
          tpu.vector_store %arg14[%swap3A_182, %swap3A_183], %swap3A_186 {strides = array<i32>} : memref<16x128xf32, #tpu.memory_space<vmem>>, vector<1x16xf32>,
        }
        %scan3A_104 = arith.constant 8 : i32
        %scan3A_105 = arith.constant 0 : i32
        %scan3A_106 = arith.constant 8 : i32
        %scan3A_107 = arith.addi %scan3A_105, %scan3A_106 : i32
        %scan3A_108 = arith.constant 1 : i32
        scf.for %scan3A_121 = %scan3A_105 to %scan3A_107 step %scan3A_108  : i32 {
          %mul3A_122 = arith.constant 1 : i32
          %mul3A_123 = arith.muli %scan3A_121, %mul3A_122 : i32
          %add3A_124 = arith.constant 0 : i32
          %add3A_125 = arith.addi %add3A_124, %mul3A_123 : i32
          %add3A_126 = arith.constant 8 : i32
          %add3A_127 = arith.addi %add3A_125, %add3A_126 : i32
          %mul3A_128 = arith.constant 32 : i32
          %mul3A_129 = arith.muli %add3A_125, %mul3A_128 : i32
          %broadcast_in_dim3A = arith.constant 0.000000e+00 : f32
          %broadcast_in_dim3A_130 = vector.broadcast %broadcast_in_dim3A : f32 to vector<16xf32>
          %broadcast_in_dim3A_131 = arith.constant 0.000000e+00 : f32
          %broadcast_in_dim3A_132 = vector.broadcast %broadcast_in_dim3A_131 : f32 to vector<16xf32>
          %broadcast_in_dim3A_133 = arith.constant 0.000000e+00 : f32
          %broadcast_in_dim3A_134 = vector.broadcast %broadcast_in_dim3A_133 : f32 to vector<16xf32>
          %broadcast_in_dim3A_135 = arith.constant 0.000000e+00 : f32
          %broadcast_in_dim3A_136 = vector.broadcast %broadcast_in_dim3A_135 : f32 to vector<16xf32>
          %broadcast_in_dim3A_137 = arith.constant 0.000000e+00 : f32
          %broadcast_in_dim3A_138 = vector.broadcast %broadcast_in_dim3A_137 : f32 to vector<16xf32>
          %broadcast_in_dim3A_139 = arith.constant 0.000000e+00 : f32
          %broadcast_in_dim3A_140 = vector.broadcast %broadcast_in_dim3A_139 : f32 to vector<16xf32>
          %broadcast_in_dim3A_141 = arith.constant 0.000000e+00 : f32
          %broadcast_in_dim3A_142 = vector.broadcast %broadcast_in_dim3A_141 : f32 to vector<16xf32>
          %broadcast_in_dim3A_143 = arith.constant 0.000000e+00 : f32
          %broadcast_in_dim3A_144 = vector.broadcast %broadcast_in_dim3A_143 : f32 to vector<16xf32>
          %parallel_loop3A = arith.constant 0 : i32
          %parallel_loop3A_145 = arith.constant 32 : i32
          %parallel_loop3A_146 = arith.constant 1 : i32
          %parallel_loop3A_147:8 = scf.for %parallel_loop3A_187 = %parallel_loop3A to %parallel_loop3A_145 step %parallel_loop3A_146 iter_args(%parallel_loop3A_188 = %broadcast_in_dim3A_130, %parallel_loop3A_189 = %broadcast_in_dim3A_132, %parallel_loop3A_190 = %broadcast_in_dim3A_134, %parallel_loop3A_191 = %broadcast_in_dim3A_136, %parallel_loop3A_192 = %broadcast_in_dim3A_138, %parallel_loop3A_193 = %broadcast_in_dim3A_140, %parallel_loop3A_194 = %broadcast_in_dim3A_142, %parallel_loop3A_195 = %broadcast_in_dim3A_144) -> (vector<16xf32>, vector<16xf32>, vector<16xf32>, vector<16xf32>, vector<16xf32>, vector<16xf32>, vector<16xf32>, vector<16xf32>)  : i32 {
            %parallel_loop3A_196 = arith.addi %mul3A_129, %parallel_loop3A_187 : i32
            %parallel_loop3A_197 = arith.index_cast %parallel_loop3A_196 : i32 to index
            %parallel_loop3A_198 = arith.constant 0 : index
            %parallel_loop3A_199 = tpu.vector_load %arg12[%parallel_loop3A_197, %parallel_loop3A_198] {strides = array<i32>} : memref<256x64xi32, #tpu.memory_space<vmem>>, vector<1x16xi32>,
            %parallel_loop3A_200 = vector.shape_cast %parallel_loop3A_199 : vector<1x16xi32> to vector<16xi32>
            %parallel_loop3A_201 = arith.constant 16 : i32
            %parallel_loop3A_202 = vector.broadcast %parallel_loop3A_201 : i32 to vector<16xi32>
            %parallel_loop3A_203 = arith.shli %parallel_loop3A_200, %parallel_loop3A_202 : vector<16xi32>
            %parallel_loop3A_204 = tpu.bitcast %parallel_loop3A_203 : vector<16xi32> -> vector<16xf32>
            %parallel_loop3A_205 = tpu.bitcast %parallel_loop3A_200 : vector<16xi32> -> vector<16xf32>
            %parallel_loop3A_206 = arith.addf %parallel_loop3A_188, %parallel_loop3A_204 : vector<16xf32>
            %parallel_loop3A_207 = arith.addf %parallel_loop3A_192, %parallel_loop3A_205 : vector<16xf32>
            %parallel_loop3A_208 = arith.addi %mul3A_129, %parallel_loop3A_187 : i32
            %parallel_loop3A_209 = arith.index_cast %parallel_loop3A_208 : i32 to index
            %parallel_loop3A_210 = arith.constant 16 : index
            %parallel_loop3A_211 = tpu.vector_load %arg12[%parallel_loop3A_209, %parallel_loop3A_210] {strides = array<i32>} : memref<256x64xi32, #tpu.memory_space<vmem>>, vector<1x16xi32>,
            %parallel_loop3A_212 = vector.shape_cast %parallel_loop3A_211 : vector<1x16xi32> to vector<16xi32>
            %parallel_loop3A_213 = arith.constant 16 : i32
            %parallel_loop3A_214 = vector.broadcast %parallel_loop3A_213 : i32 to vector<16xi32>
            %parallel_loop3A_215 = arith.shli %parallel_loop3A_212, %parallel_loop3A_214 : vector<16xi32>
            %parallel_loop3A_216 = tpu.bitcast %parallel_loop3A_215 : vector<16xi32> -> vector<16xf32>
            %parallel_loop3A_217 = tpu.bitcast %parallel_loop3A_212 : vector<16xi32> -> vector<16xf32>
            %parallel_loop3A_218 = arith.addf %parallel_loop3A_189, %parallel_loop3A_216 : vector<16xf32>
            %parallel_loop3A_219 = arith.addf %parallel_loop3A_193, %parallel_loop3A_217 : vector<16xf32>
            %parallel_loop3A_220 = arith.addi %mul3A_129, %parallel_loop3A_187 : i32
            %parallel_loop3A_221 = arith.index_cast %parallel_loop3A_220 : i32 to index
            %parallel_loop3A_222 = arith.constant 32 : index
            %parallel_loop3A_223 = tpu.vector_load %arg12[%parallel_loop3A_221, %parallel_loop3A_222] {strides = array<i32>} : memref<256x64xi32, #tpu.memory_space<vmem>>, vector<1x16xi32>,
            %parallel_loop3A_224 = vector.shape_cast %parallel_loop3A_223 : vector<1x16xi32> to vector<16xi32>
            %parallel_loop3A_225 = arith.constant 16 : i32
            %parallel_loop3A_226 = vector.broadcast %parallel_loop3A_225 : i32 to vector<16xi32>
            %parallel_loop3A_227 = arith.shli %parallel_loop3A_224, %parallel_loop3A_226 : vector<16xi32>
            %parallel_loop3A_228 = tpu.bitcast %parallel_loop3A_227 : vector<16xi32> -> vector<16xf32>
            %parallel_loop3A_229 = tpu.bitcast %parallel_loop3A_224 : vector<16xi32> -> vector<16xf32>
            %parallel_loop3A_230 = arith.addf %parallel_loop3A_190, %parallel_loop3A_228 : vector<16xf32>
            %parallel_loop3A_231 = arith.addf %parallel_loop3A_194, %parallel_loop3A_229 : vector<16xf32>
            %parallel_loop3A_232 = arith.addi %mul3A_129, %parallel_loop3A_187 : i32
            %parallel_loop3A_233 = arith.index_cast %parallel_loop3A_232 : i32 to index
            %parallel_loop3A_234 = arith.constant 48 : index
            %parallel_loop3A_235 = tpu.vector_load %arg12[%parallel_loop3A_233, %parallel_loop3A_234] {strides = array<i32>} : memref<256x64xi32, #tpu.memory_space<vmem>>, vector<1x16xi32>,
            %parallel_loop3A_236 = vector.shape_cast %parallel_loop3A_235 : vector<1x16xi32> to vector<16xi32>
            %parallel_loop3A_237 = arith.constant 16 : i32
            %parallel_loop3A_238 = vector.broadcast %parallel_loop3A_237 : i32 to vector<16xi32>
            %parallel_loop3A_239 = arith.shli %parallel_loop3A_236, %parallel_loop3A_238 : vector<16xi32>
            %parallel_loop3A_240 = tpu.bitcast %parallel_loop3A_239 : vector<16xi32> -> vector<16xf32>
            %parallel_loop3A_241 = tpu.bitcast %parallel_loop3A_236 : vector<16xi32> -> vector<16xf32>
            %parallel_loop3A_242 = arith.addf %parallel_loop3A_191, %parallel_loop3A_240 : vector<16xf32>
            %parallel_loop3A_243 = arith.addf %parallel_loop3A_195, %parallel_loop3A_241 : vector<16xf32>
            scf.yield %parallel_loop3A_206, %parallel_loop3A_218, %parallel_loop3A_230, %parallel_loop3A_242, %parallel_loop3A_207, %parallel_loop3A_219, %parallel_loop3A_231, %parallel_loop3A_243 : vector<16xf32>, vector<16xf32>, vector<16xf32>, vector<16xf32>, vector<16xf32>, vector<16xf32>, vector<16xf32>, vector<16xf32>
          } {sc.loop_unroll_factor = 4 : i64, sc.parallel_access}
          %swap3A = arith.index_cast %add3A_127 : i32 to index
          %swap3A_148 = arith.constant 0 : index
          %swap3A_149 = tpu.vector_load %arg14[%swap3A, %swap3A_148] {strides = array<i32>} : memref<16x128xf32, #tpu.memory_space<vmem>>, vector<1x16xf32>,
          %swap3A_150 = vector.shape_cast %swap3A_149 : vector<1x16xf32> to vector<16xf32>
          %swap3A_151 = vector.shape_cast %parallel_loop3A_147#0 : vector<16xf32> to vector<1x16xf32>
          tpu.vector_store %arg14[%swap3A, %swap3A_148], %swap3A_151 {strides = array<i32>} : memref<16x128xf32, #tpu.memory_space<vmem>>, vector<1x16xf32>,
          %swap3A_152 = arith.index_cast %add3A_127 : i32 to index
          %swap3A_153 = arith.constant 16 : index
          %swap3A_154 = tpu.vector_load %arg14[%swap3A_152, %swap3A_153] {strides = array<i32>} : memref<16x128xf32, #tpu.memory_space<vmem>>, vector<1x16xf32>,
          %swap3A_155 = vector.shape_cast %swap3A_154 : vector<1x16xf32> to vector<16xf32>
          %swap3A_156 = vector.shape_cast %parallel_loop3A_147#1 : vector<16xf32> to vector<1x16xf32>
          tpu.vector_store %arg14[%swap3A_152, %swap3A_153], %swap3A_156 {strides = array<i32>} : memref<16x128xf32, #tpu.memory_space<vmem>>, vector<1x16xf32>,
          %swap3A_157 = arith.index_cast %add3A_127 : i32 to index
          %swap3A_158 = arith.constant 32 : index
          %swap3A_159 = tpu.vector_load %arg14[%swap3A_157, %swap3A_158] {strides = array<i32>} : memref<16x128xf32, #tpu.memory_space<vmem>>, vector<1x16xf32>,
          %swap3A_160 = vector.shape_cast %swap3A_159 : vector<1x16xf32> to vector<16xf32>
          %swap3A_161 = vector.shape_cast %parallel_loop3A_147#2 : vector<16xf32> to vector<1x16xf32>
          tpu.vector_store %arg14[%swap3A_157, %swap3A_158], %swap3A_161 {strides = array<i32>} : memref<16x128xf32, #tpu.memory_space<vmem>>, vector<1x16xf32>,
          %swap3A_162 = arith.index_cast %add3A_127 : i32 to index
          %swap3A_163 = arith.constant 48 : index
          %swap3A_164 = tpu.vector_load %arg14[%swap3A_162, %swap3A_163] {strides = array<i32>} : memref<16x128xf32, #tpu.memory_space<vmem>>, vector<1x16xf32>,
          %swap3A_165 = vector.shape_cast %swap3A_164 : vector<1x16xf32> to vector<16xf32>
          %swap3A_166 = vector.shape_cast %parallel_loop3A_147#3 : vector<16xf32> to vector<1x16xf32>
          tpu.vector_store %arg14[%swap3A_162, %swap3A_163], %swap3A_166 {strides = array<i32>} : memref<16x128xf32, #tpu.memory_space<vmem>>, vector<1x16xf32>,
          %swap3A_167 = arith.index_cast %add3A_127 : i32 to index
          %swap3A_168 = arith.constant 64 : index
          %swap3A_169 = tpu.vector_load %arg14[%swap3A_167, %swap3A_168] {strides = array<i32>} : memref<16x128xf32, #tpu.memory_space<vmem>>, vector<1x16xf32>,
          %swap3A_170 = vector.shape_cast %swap3A_169 : vector<1x16xf32> to vector<16xf32>
          %swap3A_171 = vector.shape_cast %parallel_loop3A_147#4 : vector<16xf32> to vector<1x16xf32>
          tpu.vector_store %arg14[%swap3A_167, %swap3A_168], %swap3A_171 {strides = array<i32>} : memref<16x128xf32, #tpu.memory_space<vmem>>, vector<1x16xf32>,
          %swap3A_172 = arith.index_cast %add3A_127 : i32 to index
          %swap3A_173 = arith.constant 80 : index
          %swap3A_174 = tpu.vector_load %arg14[%swap3A_172, %swap3A_173] {strides = array<i32>} : memref<16x128xf32, #tpu.memory_space<vmem>>, vector<1x16xf32>,
          %swap3A_175 = vector.shape_cast %swap3A_174 : vector<1x16xf32> to vector<16xf32>
          %swap3A_176 = vector.shape_cast %parallel_loop3A_147#5 : vector<16xf32> to vector<1x16xf32>
          tpu.vector_store %arg14[%swap3A_172, %swap3A_173], %swap3A_176 {strides = array<i32>} : memref<16x128xf32, #tpu.memory_space<vmem>>, vector<1x16xf32>,
          %swap3A_177 = arith.index_cast %add3A_127 : i32 to index
          %swap3A_178 = arith.constant 96 : index
          %swap3A_179 = tpu.vector_load %arg14[%swap3A_177, %swap3A_178] {strides = array<i32>} : memref<16x128xf32, #tpu.memory_space<vmem>>, vector<1x16xf32>,
          %swap3A_180 = vector.shape_cast %swap3A_179 : vector<1x16xf32> to vector<16xf32>
          %swap3A_181 = vector.shape_cast %parallel_loop3A_147#6 : vector<16xf32> to vector<1x16xf32>
          tpu.vector_store %arg14[%swap3A_177, %swap3A_178], %swap3A_181 {strides = array<i32>} : memref<16x128xf32, #tpu.memory_space<vmem>>, vector<1x16xf32>,
          %swap3A_182 = arith.index_cast %add3A_127 : i32 to index
          %swap3A_183 = arith.constant 112 : index
          %swap3A_184 = tpu.vector_load %arg14[%swap3A_182, %swap3A_183] {strides = array<i32>} : memref<16x128xf32, #tpu.memory_space<vmem>>, vector<1x16xf32>,
          %swap3A_185 = vector.shape_cast %swap3A_184 : vector<1x16xf32> to vector<16xf32>
          %swap3A_186 = vector.shape_cast %parallel_loop3A_147#7 : vector<16xf32> to vector<1x16xf32>
          tpu.vector_store %arg14[%swap3A_182, %swap3A_183], %swap3A_186 {strides = array<i32>} : memref<16x128xf32, #tpu.memory_space<vmem>>, vector<1x16xf32>,
        }
        %scan3A_109 = arith.constant 8 : i32
        %lt3A_110 = arith.constant 625 : i32
        %lt3A_111 = arith.cmpi slt, %add3A_68, %lt3A_110 : i32
        %convert_element_type3A_112 = arith.extui %lt3A_111 : i1 to i32
        %cond3A_113 = arith.constant 0 : i32
        %cond3A_114 = arith.cmpi ne, %convert_element_type3A_112, %cond3A_113 : i32
        scf.if %cond3A_114 {
          %mul3A_121 = arith.constant 512 : i32
          %mul3A_122 = arith.muli %add3A_68, %mul3A_121 : i32
          %dma_wait3A_123 = tpu.memref_slice %arg3[%mul3A_122] : memref<320000xi32, #tpu.memory_space<hbm>> -> memref<256xi32, #tpu.memory_space<hbm>>
          %dma_wait3A_124 = tpu.memref_slice %arg3[%mul3A_122] : memref<320000xi32, #tpu.memory_space<hbm>> -> memref<256xi32, #tpu.memory_space<hbm>>
          tpu.wait_dma2 semaphore(%arg17 : memref<!tpu.dma_semaphore, #tpu.memory_space<semaphore_mem>>) src(%dma_wait3A_124 : memref<256xi32, #tpu.memory_space<hbm>>) dst(%arg6 : memref<256xi32, #tpu.memory_space<vmem>>)
          %mul3A_125 = arith.constant 512 : i32
          %mul3A_126 = arith.muli %add3A_68, %mul3A_125 : i32
          %add3A_127 = arith.constant 256 : i32
          %add3A_128 = arith.addi %mul3A_126, %add3A_127 : i32
          %dma_wait3A_129 = tpu.memref_slice %arg3[%add3A_128] : memref<320000xi32, #tpu.memory_space<hbm>> -> memref<256xi32, #tpu.memory_space<hbm>>
          %dma_wait3A_130 = tpu.memref_slice %arg3[%add3A_128] : memref<320000xi32, #tpu.memory_space<hbm>> -> memref<256xi32, #tpu.memory_space<hbm>>
          tpu.wait_dma2 semaphore(%arg17 : memref<!tpu.dma_semaphore, #tpu.memory_space<semaphore_mem>>) src(%dma_wait3A_130 : memref<256xi32, #tpu.memory_space<hbm>>) dst(%arg8 : memref<256xi32, #tpu.memory_space<vmem>>)
          %dma_start3A_131 = arith.constant 0 : i32
          %dma_start3A_132 = arith.constant 0 : i32
          %dma_start3A_133 = tpu.memref_slice %arg2[%dma_start3A_131, %dma_start3A_132] : memref<10000x64xi32, #tpu.memory_space<hbm>> -> memref<10000x64xi32, #tpu.memory_space<hbm>>
          tpu.enqueue_indirect_dma source(%dma_start3A_133 : memref<10000x64xi32, #tpu.memory_space<hbm>>) target(%arg10 : memref<256x64xi32, #tpu.memory_space<vmem>>) offsets(%arg6 : memref<256xi32, #tpu.memory_space<vmem>>) semaphore(%arg19 : memref<!tpu.dma_semaphore, #tpu.memory_space<semaphore_mem>>)
          %dma_start3A_134 = arith.constant 0 : i32
          %dma_start3A_135 = arith.constant 0 : i32
          %dma_start3A_136 = tpu.memref_slice %arg5[%dma_start3A_134, %dma_start3A_135] : memref<10000x64xi32, #tpu.memory_space<vmem_shared>> -> memref<10000x64xi32, #tpu.memory_space<vmem_shared>>
          tpu.enqueue_indirect_dma source(%dma_start3A_136 : memref<10000x64xi32, #tpu.memory_space<vmem_shared>>) target(%arg12 : memref<256x64xi32, #tpu.memory_space<vmem>>) offsets(%arg8 : memref<256xi32, #tpu.memory_space<vmem>>) semaphore(%arg21 : memref<!tpu.dma_semaphore, #tpu.memory_space<semaphore_mem>>)
        } else {
        }
        %mul3A_115 = arith.constant 16 : i32
        %mul3A_116 = arith.muli %add3A_66, %mul3A_115 : i32
        %dma_start3A_117 = arith.constant 0 : i32
        %dma_start3A_118 = tpu.memref_slice %arg4[%mul3A_116, %dma_start3A_117] : memref<10000x128xf32, #tpu.memory_space<hbm>> -> memref<16x128xf32, #tpu.memory_space<hbm>>
        %dma_start3A_119 = arith.constant 0 : i32
        %dma_start3A_120 = tpu.memref_slice %arg4[%mul3A_116, %dma_start3A_119] : memref<10000x128xf32, #tpu.memory_space<hbm>> -> memref<16x128xf32, #tpu.memory_space<hbm>>
        tpu.enqueue_dma source(%arg14 : memref<16x128xf32, #tpu.memory_space<vmem>>) target(%dma_start3A_120 : memref<16x128xf32, #tpu.memory_space<hbm>>) target_semaphore(%arg23 : memref<!tpu.dma_semaphore, #tpu.memory_space<semaphore_mem>>)
      } else {
      }
      %mul3A_71 = arith.constant 2 : i32
      %mul3A_72 = arith.muli %add3A_59, %mul3A_71 : i32
      %add3A_73 = arith.constant 1 : i32
      %add3A_74 = arith.addi %mul3A_72, %add3A_73 : i32
      %mul3A_75 = arith.constant 32 : i32
      %mul3A_76 = arith.muli %add3A_74, %mul3A_75 : i32
      %add3A_77 = arith.addi %mul3A_76, %add3A : i32
      %add3A_78 = arith.constant 64 : i32
      %add3A_79 = arith.addi %add3A_77, %add3A_78 : i32
      %lt3A_80 = arith.constant 625 : i32
      %lt3A_81 = arith.cmpi slt, %add3A_77, %lt3A_80 : i32
      %convert_element_type3A_82 = arith.extui %lt3A_81 : i1 to i32
      %cond3A_83 = arith.constant 0 : i32
      %cond3A_84 = arith.cmpi ne, %convert_element_type3A_82, %cond3A_83 : i32
      scf.if %cond3A_84 {
        %dma_wait3A_85 = arith.constant 0 : i32
        %dma_wait3A_86 = arith.constant 0 : i32
        %dma_wait3A_87 = tpu.memref_slice %arg2[%dma_wait3A_85, %dma_wait3A_86] : memref<10000x64xi32, #tpu.memory_space<hbm>> -> memref<10000x64xi32, #tpu.memory_space<hbm>>
        tpu.wait_indirect_dma semaphore(%arg20 : memref<!tpu.dma_semaphore, #tpu.memory_space<semaphore_mem>>) src(%dma_wait3A_87 : memref<10000x64xi32, #tpu.memory_space<hbm>>) dst(%arg11 : memref<256x64xi32, #tpu.memory_space<vmem>>)
        %dma_wait3A_88 = arith.constant 0 : i32
        %dma_wait3A_89 = arith.constant 0 : i32
        %dma_wait3A_90 = tpu.memref_slice %arg5[%dma_wait3A_88, %dma_wait3A_89] : memref<10000x64xi32, #tpu.memory_space<vmem_shared>> -> memref<10000x64xi32, #tpu.memory_space<vmem_shared>>
        tpu.wait_indirect_dma semaphore(%arg22 : memref<!tpu.dma_semaphore, #tpu.memory_space<semaphore_mem>>) src(%dma_wait3A_90 : memref<10000x64xi32, #tpu.memory_space<vmem_shared>>) dst(%arg13 : memref<256x64xi32, #tpu.memory_space<vmem>>)
        %lt3A_91 = arith.constant 625 : i32
        %lt3A_92 = arith.cmpi slt, %add3A_79, %lt3A_91 : i32
        %convert_element_type3A_93 = arith.extui %lt3A_92 : i1 to i32
        %cond3A_94 = arith.constant 0 : i32
        %cond3A_95 = arith.cmpi ne, %convert_element_type3A_93, %cond3A_94 : i32
        scf.if %cond3A_95 {
          %mul3A_121 = arith.constant 512 : i32
          %mul3A_122 = arith.muli %add3A_79, %mul3A_121 : i32
          %dma_start3A_123 = tpu.memref_slice %arg3[%mul3A_122] : memref<320000xi32, #tpu.memory_space<hbm>> -> memref<256xi32, #tpu.memory_space<hbm>>
          %dma_start3A_124 = tpu.memref_slice %arg3[%mul3A_122] : memref<320000xi32, #tpu.memory_space<hbm>> -> memref<256xi32, #tpu.memory_space<hbm>>
          tpu.enqueue_dma source(%dma_start3A_124 : memref<256xi32, #tpu.memory_space<hbm>>) target(%arg7 : memref<256xi32, #tpu.memory_space<vmem>>) target_semaphore(%arg18 : memref<!tpu.dma_semaphore, #tpu.memory_space<semaphore_mem>>)
          %mul3A_125 = arith.constant 512 : i32
          %mul3A_126 = arith.muli %add3A_79, %mul3A_125 : i32
          %add3A_127 = arith.constant 256 : i32
          %add3A_128 = arith.addi %mul3A_126, %add3A_127 : i32
          %dma_start3A_129 = tpu.memref_slice %arg3[%add3A_128] : memref<320000xi32, #tpu.memory_space<hbm>> -> memref<256xi32, #tpu.memory_space<hbm>>
          %dma_start3A_130 = tpu.memref_slice %arg3[%add3A_128] : memref<320000xi32, #tpu.memory_space<hbm>> -> memref<256xi32, #tpu.memory_space<hbm>>
          tpu.enqueue_dma source(%dma_start3A_130 : memref<256xi32, #tpu.memory_space<hbm>>) target(%arg9 : memref<256xi32, #tpu.memory_space<vmem>>) target_semaphore(%arg18 : memref<!tpu.dma_semaphore, #tpu.memory_space<semaphore_mem>>)
        } else {
        }
        %gt3A = arith.constant 0 : i32
        %gt3A_96 = arith.cmpi sgt, %add3A_59, %gt3A : i32
        %convert_element_type3A_97 = arith.extui %gt3A_96 : i1 to i32
        %cond3A_98 = arith.constant 0 : i32
        %cond3A_99 = arith.cmpi ne, %convert_element_type3A_97, %cond3A_98 : i32
        scf.if %cond3A_99 {
          %dma_wait3A_121 = arith.constant 0 : i32
          %dma_wait3A_122 = arith.constant 0 : i32
          %dma_wait3A_123 = tpu.memref_slice %arg4[%dma_wait3A_121, %dma_wait3A_122] : memref<10000x128xf32, #tpu.memory_space<hbm>> -> memref<16x128xf32, #tpu.memory_space<hbm>>
          %dma_wait3A_124 = arith.constant 0 : i32
          %dma_wait3A_125 = arith.constant 0 : i32
          %dma_wait3A_126 = tpu.memref_slice %arg4[%dma_wait3A_124, %dma_wait3A_125] : memref<10000x128xf32, #tpu.memory_space<hbm>> -> memref<16x128xf32, #tpu.memory_space<hbm>>
          tpu.wait_dma2 semaphore(%arg24 : memref<!tpu.dma_semaphore, #tpu.memory_space<semaphore_mem>>) src(%arg15 : memref<16x128xf32, #tpu.memory_space<vmem>>) dst(%dma_wait3A_126 : memref<16x128xf32, #tpu.memory_space<hbm>>)
        } else {
        }
        %scan3A_100 = arith.constant 0 : i32
        %scan3A_101 = arith.constant 8 : i32
        %scan3A_102 = arith.addi %scan3A_100, %scan3A_101 : i32
        %scan3A_103 = arith.constant 1 : i32
        scf.for %scan3A_121 = %scan3A_100 to %scan3A_102 step %scan3A_103  : i32 {
          %mul3A_122 = arith.constant 1 : i32
          %mul3A_123 = arith.muli %scan3A_121, %mul3A_122 : i32
          %add3A_124 = arith.constant 0 : i32
          %add3A_125 = arith.addi %add3A_124, %mul3A_123 : i32
          %add3A_126 = arith.constant 0 : i32
          %add3A_127 = arith.addi %add3A_125, %add3A_126 : i32
          %mul3A_128 = arith.constant 32 : i32
          %mul3A_129 = arith.muli %add3A_125, %mul3A_128 : i32
          %broadcast_in_dim3A = arith.constant 0.000000e+00 : f32
          %broadcast_in_dim3A_130 = vector.broadcast %broadcast_in_dim3A : f32 to vector<16xf32>
          %broadcast_in_dim3A_131 = arith.constant 0.000000e+00 : f32
          %broadcast_in_dim3A_132 = vector.broadcast %broadcast_in_dim3A_131 : f32 to vector<16xf32>
          %broadcast_in_dim3A_133 = arith.constant 0.000000e+00 : f32
          %broadcast_in_dim3A_134 = vector.broadcast %broadcast_in_dim3A_133 : f32 to vector<16xf32>
          %broadcast_in_dim3A_135 = arith.constant 0.000000e+00 : f32
          %broadcast_in_dim3A_136 = vector.broadcast %broadcast_in_dim3A_135 : f32 to vector<16xf32>
          %broadcast_in_dim3A_137 = arith.constant 0.000000e+00 : f32
          %broadcast_in_dim3A_138 = vector.broadcast %broadcast_in_dim3A_137 : f32 to vector<16xf32>
          %broadcast_in_dim3A_139 = arith.constant 0.000000e+00 : f32
          %broadcast_in_dim3A_140 = vector.broadcast %broadcast_in_dim3A_139 : f32 to vector<16xf32>
          %broadcast_in_dim3A_141 = arith.constant 0.000000e+00 : f32
          %broadcast_in_dim3A_142 = vector.broadcast %broadcast_in_dim3A_141 : f32 to vector<16xf32>
          %broadcast_in_dim3A_143 = arith.constant 0.000000e+00 : f32
          %broadcast_in_dim3A_144 = vector.broadcast %broadcast_in_dim3A_143 : f32 to vector<16xf32>
          %parallel_loop3A = arith.constant 0 : i32
          %parallel_loop3A_145 = arith.constant 32 : i32
          %parallel_loop3A_146 = arith.constant 1 : i32
          %parallel_loop3A_147:8 = scf.for %parallel_loop3A_187 = %parallel_loop3A to %parallel_loop3A_145 step %parallel_loop3A_146 iter_args(%parallel_loop3A_188 = %broadcast_in_dim3A_130, %parallel_loop3A_189 = %broadcast_in_dim3A_132, %parallel_loop3A_190 = %broadcast_in_dim3A_134, %parallel_loop3A_191 = %broadcast_in_dim3A_136, %parallel_loop3A_192 = %broadcast_in_dim3A_138, %parallel_loop3A_193 = %broadcast_in_dim3A_140, %parallel_loop3A_194 = %broadcast_in_dim3A_142, %parallel_loop3A_195 = %broadcast_in_dim3A_144) -> (vector<16xf32>, vector<16xf32>, vector<16xf32>, vector<16xf32>, vector<16xf32>, vector<16xf32>, vector<16xf32>, vector<16xf32>)  : i32 {
            %parallel_loop3A_196 = arith.addi %mul3A_129, %parallel_loop3A_187 : i32
            %parallel_loop3A_197 = arith.index_cast %parallel_loop3A_196 : i32 to index
            %parallel_loop3A_198 = arith.constant 0 : index
            %parallel_loop3A_199 = tpu.vector_load %arg11[%parallel_loop3A_197, %parallel_loop3A_198] {strides = array<i32>} : memref<256x64xi32, #tpu.memory_space<vmem>>, vector<1x16xi32>,
            %parallel_loop3A_200 = vector.shape_cast %parallel_loop3A_199 : vector<1x16xi32> to vector<16xi32>
            %parallel_loop3A_201 = arith.constant 16 : i32
            %parallel_loop3A_202 = vector.broadcast %parallel_loop3A_201 : i32 to vector<16xi32>
            %parallel_loop3A_203 = arith.shli %parallel_loop3A_200, %parallel_loop3A_202 : vector<16xi32>
            %parallel_loop3A_204 = tpu.bitcast %parallel_loop3A_203 : vector<16xi32> -> vector<16xf32>
            %parallel_loop3A_205 = tpu.bitcast %parallel_loop3A_200 : vector<16xi32> -> vector<16xf32>
            %parallel_loop3A_206 = arith.addf %parallel_loop3A_188, %parallel_loop3A_204 : vector<16xf32>
            %parallel_loop3A_207 = arith.addf %parallel_loop3A_192, %parallel_loop3A_205 : vector<16xf32>
            %parallel_loop3A_208 = arith.addi %mul3A_129, %parallel_loop3A_187 : i32
            %parallel_loop3A_209 = arith.index_cast %parallel_loop3A_208 : i32 to index
            %parallel_loop3A_210 = arith.constant 16 : index
            %parallel_loop3A_211 = tpu.vector_load %arg11[%parallel_loop3A_209, %parallel_loop3A_210] {strides = array<i32>} : memref<256x64xi32, #tpu.memory_space<vmem>>, vector<1x16xi32>,
            %parallel_loop3A_212 = vector.shape_cast %parallel_loop3A_211 : vector<1x16xi32> to vector<16xi32>
            %parallel_loop3A_213 = arith.constant 16 : i32
            %parallel_loop3A_214 = vector.broadcast %parallel_loop3A_213 : i32 to vector<16xi32>
            %parallel_loop3A_215 = arith.shli %parallel_loop3A_212, %parallel_loop3A_214 : vector<16xi32>
            %parallel_loop3A_216 = tpu.bitcast %parallel_loop3A_215 : vector<16xi32> -> vector<16xf32>
            %parallel_loop3A_217 = tpu.bitcast %parallel_loop3A_212 : vector<16xi32> -> vector<16xf32>
            %parallel_loop3A_218 = arith.addf %parallel_loop3A_189, %parallel_loop3A_216 : vector<16xf32>
            %parallel_loop3A_219 = arith.addf %parallel_loop3A_193, %parallel_loop3A_217 : vector<16xf32>
            %parallel_loop3A_220 = arith.addi %mul3A_129, %parallel_loop3A_187 : i32
            %parallel_loop3A_221 = arith.index_cast %parallel_loop3A_220 : i32 to index
            %parallel_loop3A_222 = arith.constant 32 : index
            %parallel_loop3A_223 = tpu.vector_load %arg11[%parallel_loop3A_221, %parallel_loop3A_222] {strides = array<i32>} : memref<256x64xi32, #tpu.memory_space<vmem>>, vector<1x16xi32>,
            %parallel_loop3A_224 = vector.shape_cast %parallel_loop3A_223 : vector<1x16xi32> to vector<16xi32>
            %parallel_loop3A_225 = arith.constant 16 : i32
            %parallel_loop3A_226 = vector.broadcast %parallel_loop3A_225 : i32 to vector<16xi32>
            %parallel_loop3A_227 = arith.shli %parallel_loop3A_224, %parallel_loop3A_226 : vector<16xi32>
            %parallel_loop3A_228 = tpu.bitcast %parallel_loop3A_227 : vector<16xi32> -> vector<16xf32>
            %parallel_loop3A_229 = tpu.bitcast %parallel_loop3A_224 : vector<16xi32> -> vector<16xf32>
            %parallel_loop3A_230 = arith.addf %parallel_loop3A_190, %parallel_loop3A_228 : vector<16xf32>
            %parallel_loop3A_231 = arith.addf %parallel_loop3A_194, %parallel_loop3A_229 : vector<16xf32>
            %parallel_loop3A_232 = arith.addi %mul3A_129, %parallel_loop3A_187 : i32
            %parallel_loop3A_233 = arith.index_cast %parallel_loop3A_232 : i32 to index
            %parallel_loop3A_234 = arith.constant 48 : index
            %parallel_loop3A_235 = tpu.vector_load %arg11[%parallel_loop3A_233, %parallel_loop3A_234] {strides = array<i32>} : memref<256x64xi32, #tpu.memory_space<vmem>>, vector<1x16xi32>,
            %parallel_loop3A_236 = vector.shape_cast %parallel_loop3A_235 : vector<1x16xi32> to vector<16xi32>
            %parallel_loop3A_237 = arith.constant 16 : i32
            %parallel_loop3A_238 = vector.broadcast %parallel_loop3A_237 : i32 to vector<16xi32>
            %parallel_loop3A_239 = arith.shli %parallel_loop3A_236, %parallel_loop3A_238 : vector<16xi32>
            %parallel_loop3A_240 = tpu.bitcast %parallel_loop3A_239 : vector<16xi32> -> vector<16xf32>
            %parallel_loop3A_241 = tpu.bitcast %parallel_loop3A_236 : vector<16xi32> -> vector<16xf32>
            %parallel_loop3A_242 = arith.addf %parallel_loop3A_191, %parallel_loop3A_240 : vector<16xf32>
            %parallel_loop3A_243 = arith.addf %parallel_loop3A_195, %parallel_loop3A_241 : vector<16xf32>
            scf.yield %parallel_loop3A_206, %parallel_loop3A_218, %parallel_loop3A_230, %parallel_loop3A_242, %parallel_loop3A_207, %parallel_loop3A_219, %parallel_loop3A_231, %parallel_loop3A_243 : vector<16xf32>, vector<16xf32>, vector<16xf32>, vector<16xf32>, vector<16xf32>, vector<16xf32>, vector<16xf32>, vector<16xf32>
          } {sc.loop_unroll_factor = 4 : i64, sc.parallel_access}
          %swap3A = arith.index_cast %add3A_127 : i32 to index
          %swap3A_148 = arith.constant 0 : index
          %swap3A_149 = tpu.vector_load %arg15[%swap3A, %swap3A_148] {strides = array<i32>} : memref<16x128xf32, #tpu.memory_space<vmem>>, vector<1x16xf32>,
          %swap3A_150 = vector.shape_cast %swap3A_149 : vector<1x16xf32> to vector<16xf32>
          %swap3A_151 = vector.shape_cast %parallel_loop3A_147#0 : vector<16xf32> to vector<1x16xf32>
          tpu.vector_store %arg15[%swap3A, %swap3A_148], %swap3A_151 {strides = array<i32>} : memref<16x128xf32, #tpu.memory_space<vmem>>, vector<1x16xf32>,
          %swap3A_152 = arith.index_cast %add3A_127 : i32 to index
          %swap3A_153 = arith.constant 16 : index
          %swap3A_154 = tpu.vector_load %arg15[%swap3A_152, %swap3A_153] {strides = array<i32>} : memref<16x128xf32, #tpu.memory_space<vmem>>, vector<1x16xf32>,
          %swap3A_155 = vector.shape_cast %swap3A_154 : vector<1x16xf32> to vector<16xf32>
          %swap3A_156 = vector.shape_cast %parallel_loop3A_147#1 : vector<16xf32> to vector<1x16xf32>
          tpu.vector_store %arg15[%swap3A_152, %swap3A_153], %swap3A_156 {strides = array<i32>} : memref<16x128xf32, #tpu.memory_space<vmem>>, vector<1x16xf32>,
          %swap3A_157 = arith.index_cast %add3A_127 : i32 to index
          %swap3A_158 = arith.constant 32 : index
          %swap3A_159 = tpu.vector_load %arg15[%swap3A_157, %swap3A_158] {strides = array<i32>} : memref<16x128xf32, #tpu.memory_space<vmem>>, vector<1x16xf32>,
          %swap3A_160 = vector.shape_cast %swap3A_159 : vector<1x16xf32> to vector<16xf32>
          %swap3A_161 = vector.shape_cast %parallel_loop3A_147#2 : vector<16xf32> to vector<1x16xf32>
          tpu.vector_store %arg15[%swap3A_157, %swap3A_158], %swap3A_161 {strides = array<i32>} : memref<16x128xf32, #tpu.memory_space<vmem>>, vector<1x16xf32>,
          %swap3A_162 = arith.index_cast %add3A_127 : i32 to index
          %swap3A_163 = arith.constant 48 : index
          %swap3A_164 = tpu.vector_load %arg15[%swap3A_162, %swap3A_163] {strides = array<i32>} : memref<16x128xf32, #tpu.memory_space<vmem>>, vector<1x16xf32>,
          %swap3A_165 = vector.shape_cast %swap3A_164 : vector<1x16xf32> to vector<16xf32>
          %swap3A_166 = vector.shape_cast %parallel_loop3A_147#3 : vector<16xf32> to vector<1x16xf32>
          tpu.vector_store %arg15[%swap3A_162, %swap3A_163], %swap3A_166 {strides = array<i32>} : memref<16x128xf32, #tpu.memory_space<vmem>>, vector<1x16xf32>,
          %swap3A_167 = arith.index_cast %add3A_127 : i32 to index
          %swap3A_168 = arith.constant 64 : index
          %swap3A_169 = tpu.vector_load %arg15[%swap3A_167, %swap3A_168] {strides = array<i32>} : memref<16x128xf32, #tpu.memory_space<vmem>>, vector<1x16xf32>,
          %swap3A_170 = vector.shape_cast %swap3A_169 : vector<1x16xf32> to vector<16xf32>
          %swap3A_171 = vector.shape_cast %parallel_loop3A_147#4 : vector<16xf32> to vector<1x16xf32>
          tpu.vector_store %arg15[%swap3A_167, %swap3A_168], %swap3A_171 {strides = array<i32>} : memref<16x128xf32, #tpu.memory_space<vmem>>, vector<1x16xf32>,
          %swap3A_172 = arith.index_cast %add3A_127 : i32 to index
          %swap3A_173 = arith.constant 80 : index
          %swap3A_174 = tpu.vector_load %arg15[%swap3A_172, %swap3A_173] {strides = array<i32>} : memref<16x128xf32, #tpu.memory_space<vmem>>, vector<1x16xf32>,
          %swap3A_175 = vector.shape_cast %swap3A_174 : vector<1x16xf32> to vector<16xf32>
          %swap3A_176 = vector.shape_cast %parallel_loop3A_147#5 : vector<16xf32> to vector<1x16xf32>
          tpu.vector_store %arg15[%swap3A_172, %swap3A_173], %swap3A_176 {strides = array<i32>} : memref<16x128xf32, #tpu.memory_space<vmem>>, vector<1x16xf32>,
          %swap3A_177 = arith.index_cast %add3A_127 : i32 to index
          %swap3A_178 = arith.constant 96 : index
          %swap3A_179 = tpu.vector_load %arg15[%swap3A_177, %swap3A_178] {strides = array<i32>} : memref<16x128xf32, #tpu.memory_space<vmem>>, vector<1x16xf32>,
          %swap3A_180 = vector.shape_cast %swap3A_179 : vector<1x16xf32> to vector<16xf32>
          %swap3A_181 = vector.shape_cast %parallel_loop3A_147#6 : vector<16xf32> to vector<1x16xf32>
          tpu.vector_store %arg15[%swap3A_177, %swap3A_178], %swap3A_181 {strides = array<i32>} : memref<16x128xf32, #tpu.memory_space<vmem>>, vector<1x16xf32>,
          %swap3A_182 = arith.index_cast %add3A_127 : i32 to index
          %swap3A_183 = arith.constant 112 : index
          %swap3A_184 = tpu.vector_load %arg15[%swap3A_182, %swap3A_183] {strides = array<i32>} : memref<16x128xf32, #tpu.memory_space<vmem>>, vector<1x16xf32>,
          %swap3A_185 = vector.shape_cast %swap3A_184 : vector<1x16xf32> to vector<16xf32>
          %swap3A_186 = vector.shape_cast %parallel_loop3A_147#7 : vector<16xf32> to vector<1x16xf32>
          tpu.vector_store %arg15[%swap3A_182, %swap3A_183], %swap3A_186 {strides = array<i32>} : memref<16x128xf32, #tpu.memory_space<vmem>>, vector<1x16xf32>,
        }
        %scan3A_104 = arith.constant 8 : i32
        %scan3A_105 = arith.constant 0 : i32
        %scan3A_106 = arith.constant 8 : i32
        %scan3A_107 = arith.addi %scan3A_105, %scan3A_106 : i32
        %scan3A_108 = arith.constant 1 : i32
        scf.for %scan3A_121 = %scan3A_105 to %scan3A_107 step %scan3A_108  : i32 {
          %mul3A_122 = arith.constant 1 : i32
          %mul3A_123 = arith.muli %scan3A_121, %mul3A_122 : i32
          %add3A_124 = arith.constant 0 : i32
          %add3A_125 = arith.addi %add3A_124, %mul3A_123 : i32
          %add3A_126 = arith.constant 8 : i32
          %add3A_127 = arith.addi %add3A_125, %add3A_126 : i32
          %mul3A_128 = arith.constant 32 : i32
          %mul3A_129 = arith.muli %add3A_125, %mul3A_128 : i32
          %broadcast_in_dim3A = arith.constant 0.000000e+00 : f32
          %broadcast_in_dim3A_130 = vector.broadcast %broadcast_in_dim3A : f32 to vector<16xf32>
          %broadcast_in_dim3A_131 = arith.constant 0.000000e+00 : f32
          %broadcast_in_dim3A_132 = vector.broadcast %broadcast_in_dim3A_131 : f32 to vector<16xf32>
          %broadcast_in_dim3A_133 = arith.constant 0.000000e+00 : f32
          %broadcast_in_dim3A_134 = vector.broadcast %broadcast_in_dim3A_133 : f32 to vector<16xf32>
          %broadcast_in_dim3A_135 = arith.constant 0.000000e+00 : f32
          %broadcast_in_dim3A_136 = vector.broadcast %broadcast_in_dim3A_135 : f32 to vector<16xf32>
          %broadcast_in_dim3A_137 = arith.constant 0.000000e+00 : f32
          %broadcast_in_dim3A_138 = vector.broadcast %broadcast_in_dim3A_137 : f32 to vector<16xf32>
          %broadcast_in_dim3A_139 = arith.constant 0.000000e+00 : f32
          %broadcast_in_dim3A_140 = vector.broadcast %broadcast_in_dim3A_139 : f32 to vector<16xf32>
          %broadcast_in_dim3A_141 = arith.constant 0.000000e+00 : f32
          %broadcast_in_dim3A_142 = vector.broadcast %broadcast_in_dim3A_141 : f32 to vector<16xf32>
          %broadcast_in_dim3A_143 = arith.constant 0.000000e+00 : f32
          %broadcast_in_dim3A_144 = vector.broadcast %broadcast_in_dim3A_143 : f32 to vector<16xf32>
          %parallel_loop3A = arith.constant 0 : i32
          %parallel_loop3A_145 = arith.constant 32 : i32
          %parallel_loop3A_146 = arith.constant 1 : i32
          %parallel_loop3A_147:8 = scf.for %parallel_loop3A_187 = %parallel_loop3A to %parallel_loop3A_145 step %parallel_loop3A_146 iter_args(%parallel_loop3A_188 = %broadcast_in_dim3A_130, %parallel_loop3A_189 = %broadcast_in_dim3A_132, %parallel_loop3A_190 = %broadcast_in_dim3A_134, %parallel_loop3A_191 = %broadcast_in_dim3A_136, %parallel_loop3A_192 = %broadcast_in_dim3A_138, %parallel_loop3A_193 = %broadcast_in_dim3A_140, %parallel_loop3A_194 = %broadcast_in_dim3A_142, %parallel_loop3A_195 = %broadcast_in_dim3A_144) -> (vector<16xf32>, vector<16xf32>, vector<16xf32>, vector<16xf32>, vector<16xf32>, vector<16xf32>, vector<16xf32>, vector<16xf32>)  : i32 {
            %parallel_loop3A_196 = arith.addi %mul3A_129, %parallel_loop3A_187 : i32
            %parallel_loop3A_197 = arith.index_cast %parallel_loop3A_196 : i32 to index
            %parallel_loop3A_198 = arith.constant 0 : index
            %parallel_loop3A_199 = tpu.vector_load %arg13[%parallel_loop3A_197, %parallel_loop3A_198] {strides = array<i32>} : memref<256x64xi32, #tpu.memory_space<vmem>>, vector<1x16xi32>,
            %parallel_loop3A_200 = vector.shape_cast %parallel_loop3A_199 : vector<1x16xi32> to vector<16xi32>
            %parallel_loop3A_201 = arith.constant 16 : i32
            %parallel_loop3A_202 = vector.broadcast %parallel_loop3A_201 : i32 to vector<16xi32>
            %parallel_loop3A_203 = arith.shli %parallel_loop3A_200, %parallel_loop3A_202 : vector<16xi32>
            %parallel_loop3A_204 = tpu.bitcast %parallel_loop3A_203 : vector<16xi32> -> vector<16xf32>
            %parallel_loop3A_205 = tpu.bitcast %parallel_loop3A_200 : vector<16xi32> -> vector<16xf32>
            %parallel_loop3A_206 = arith.addf %parallel_loop3A_188, %parallel_loop3A_204 : vector<16xf32>
            %parallel_loop3A_207 = arith.addf %parallel_loop3A_192, %parallel_loop3A_205 : vector<16xf32>
            %parallel_loop3A_208 = arith.addi %mul3A_129, %parallel_loop3A_187 : i32
            %parallel_loop3A_209 = arith.index_cast %parallel_loop3A_208 : i32 to index
            %parallel_loop3A_210 = arith.constant 16 : index
            %parallel_loop3A_211 = tpu.vector_load %arg13[%parallel_loop3A_209, %parallel_loop3A_210] {strides = array<i32>} : memref<256x64xi32, #tpu.memory_space<vmem>>, vector<1x16xi32>,
            %parallel_loop3A_212 = vector.shape_cast %parallel_loop3A_211 : vector<1x16xi32> to vector<16xi32>
            %parallel_loop3A_213 = arith.constant 16 : i32
            %parallel_loop3A_214 = vector.broadcast %parallel_loop3A_213 : i32 to vector<16xi32>
            %parallel_loop3A_215 = arith.shli %parallel_loop3A_212, %parallel_loop3A_214 : vector<16xi32>
            %parallel_loop3A_216 = tpu.bitcast %parallel_loop3A_215 : vector<16xi32> -> vector<16xf32>
            %parallel_loop3A_217 = tpu.bitcast %parallel_loop3A_212 : vector<16xi32> -> vector<16xf32>
            %parallel_loop3A_218 = arith.addf %parallel_loop3A_189, %parallel_loop3A_216 : vector<16xf32>
            %parallel_loop3A_219 = arith.addf %parallel_loop3A_193, %parallel_loop3A_217 : vector<16xf32>
            %parallel_loop3A_220 = arith.addi %mul3A_129, %parallel_loop3A_187 : i32
            %parallel_loop3A_221 = arith.index_cast %parallel_loop3A_220 : i32 to index
            %parallel_loop3A_222 = arith.constant 32 : index
            %parallel_loop3A_223 = tpu.vector_load %arg13[%parallel_loop3A_221, %parallel_loop3A_222] {strides = array<i32>} : memref<256x64xi32, #tpu.memory_space<vmem>>, vector<1x16xi32>,
            %parallel_loop3A_224 = vector.shape_cast %parallel_loop3A_223 : vector<1x16xi32> to vector<16xi32>
            %parallel_loop3A_225 = arith.constant 16 : i32
            %parallel_loop3A_226 = vector.broadcast %parallel_loop3A_225 : i32 to vector<16xi32>
            %parallel_loop3A_227 = arith.shli %parallel_loop3A_224, %parallel_loop3A_226 : vector<16xi32>
            %parallel_loop3A_228 = tpu.bitcast %parallel_loop3A_227 : vector<16xi32> -> vector<16xf32>
            %parallel_loop3A_229 = tpu.bitcast %parallel_loop3A_224 : vector<16xi32> -> vector<16xf32>
            %parallel_loop3A_230 = arith.addf %parallel_loop3A_190, %parallel_loop3A_228 : vector<16xf32>
            %parallel_loop3A_231 = arith.addf %parallel_loop3A_194, %parallel_loop3A_229 : vector<16xf32>
            %parallel_loop3A_232 = arith.addi %mul3A_129, %parallel_loop3A_187 : i32
            %parallel_loop3A_233 = arith.index_cast %parallel_loop3A_232 : i32 to index
            %parallel_loop3A_234 = arith.constant 48 : index
            %parallel_loop3A_235 = tpu.vector_load %arg13[%parallel_loop3A_233, %parallel_loop3A_234] {strides = array<i32>} : memref<256x64xi32, #tpu.memory_space<vmem>>, vector<1x16xi32>,
            %parallel_loop3A_236 = vector.shape_cast %parallel_loop3A_235 : vector<1x16xi32> to vector<16xi32>
            %parallel_loop3A_237 = arith.constant 16 : i32
            %parallel_loop3A_238 = vector.broadcast %parallel_loop3A_237 : i32 to vector<16xi32>
            %parallel_loop3A_239 = arith.shli %parallel_loop3A_236, %parallel_loop3A_238 : vector<16xi32>
            %parallel_loop3A_240 = tpu.bitcast %parallel_loop3A_239 : vector<16xi32> -> vector<16xf32>
            %parallel_loop3A_241 = tpu.bitcast %parallel_loop3A_236 : vector<16xi32> -> vector<16xf32>
            %parallel_loop3A_242 = arith.addf %parallel_loop3A_191, %parallel_loop3A_240 : vector<16xf32>
            %parallel_loop3A_243 = arith.addf %parallel_loop3A_195, %parallel_loop3A_241 : vector<16xf32>
            scf.yield %parallel_loop3A_206, %parallel_loop3A_218, %parallel_loop3A_230, %parallel_loop3A_242, %parallel_loop3A_207, %parallel_loop3A_219, %parallel_loop3A_231, %parallel_loop3A_243 : vector<16xf32>, vector<16xf32>, vector<16xf32>, vector<16xf32>, vector<16xf32>, vector<16xf32>, vector<16xf32>, vector<16xf32>
          } {sc.loop_unroll_factor = 4 : i64, sc.parallel_access}
          %swap3A = arith.index_cast %add3A_127 : i32 to index
          %swap3A_148 = arith.constant 0 : index
          %swap3A_149 = tpu.vector_load %arg15[%swap3A, %swap3A_148] {strides = array<i32>} : memref<16x128xf32, #tpu.memory_space<vmem>>, vector<1x16xf32>,
          %swap3A_150 = vector.shape_cast %swap3A_149 : vector<1x16xf32> to vector<16xf32>
          %swap3A_151 = vector.shape_cast %parallel_loop3A_147#0 : vector<16xf32> to vector<1x16xf32>
          tpu.vector_store %arg15[%swap3A, %swap3A_148], %swap3A_151 {strides = array<i32>} : memref<16x128xf32, #tpu.memory_space<vmem>>, vector<1x16xf32>,
          %swap3A_152 = arith.index_cast %add3A_127 : i32 to index
          %swap3A_153 = arith.constant 16 : index
          %swap3A_154 = tpu.vector_load %arg15[%swap3A_152, %swap3A_153] {strides = array<i32>} : memref<16x128xf32, #tpu.memory_space<vmem>>, vector<1x16xf32>,
          %swap3A_155 = vector.shape_cast %swap3A_154 : vector<1x16xf32> to vector<16xf32>
          %swap3A_156 = vector.shape_cast %parallel_loop3A_147#1 : vector<16xf32> to vector<1x16xf32>
          tpu.vector_store %arg15[%swap3A_152, %swap3A_153], %swap3A_156 {strides = array<i32>} : memref<16x128xf32, #tpu.memory_space<vmem>>, vector<1x16xf32>,
          %swap3A_157 = arith.index_cast %add3A_127 : i32 to index
          %swap3A_158 = arith.constant 32 : index
          %swap3A_159 = tpu.vector_load %arg15[%swap3A_157, %swap3A_158] {strides = array<i32>} : memref<16x128xf32, #tpu.memory_space<vmem>>, vector<1x16xf32>,
          %swap3A_160 = vector.shape_cast %swap3A_159 : vector<1x16xf32> to vector<16xf32>
          %swap3A_161 = vector.shape_cast %parallel_loop3A_147#2 : vector<16xf32> to vector<1x16xf32>
          tpu.vector_store %arg15[%swap3A_157, %swap3A_158], %swap3A_161 {strides = array<i32>} : memref<16x128xf32, #tpu.memory_space<vmem>>, vector<1x16xf32>,
          %swap3A_162 = arith.index_cast %add3A_127 : i32 to index
          %swap3A_163 = arith.constant 48 : index
          %swap3A_164 = tpu.vector_load %arg15[%swap3A_162, %swap3A_163] {strides = array<i32>} : memref<16x128xf32, #tpu.memory_space<vmem>>, vector<1x16xf32>,
          %swap3A_165 = vector.shape_cast %swap3A_164 : vector<1x16xf32> to vector<16xf32>
          %swap3A_166 = vector.shape_cast %parallel_loop3A_147#3 : vector<16xf32> to vector<1x16xf32>
          tpu.vector_store %arg15[%swap3A_162, %swap3A_163], %swap3A_166 {strides = array<i32>} : memref<16x128xf32, #tpu.memory_space<vmem>>, vector<1x16xf32>,
          %swap3A_167 = arith.index_cast %add3A_127 : i32 to index
          %swap3A_168 = arith.constant 64 : index
          %swap3A_169 = tpu.vector_load %arg15[%swap3A_167, %swap3A_168] {strides = array<i32>} : memref<16x128xf32, #tpu.memory_space<vmem>>, vector<1x16xf32>,
          %swap3A_170 = vector.shape_cast %swap3A_169 : vector<1x16xf32> to vector<16xf32>
          %swap3A_171 = vector.shape_cast %parallel_loop3A_147#4 : vector<16xf32> to vector<1x16xf32>
          tpu.vector_store %arg15[%swap3A_167, %swap3A_168], %swap3A_171 {strides = array<i32>} : memref<16x128xf32, #tpu.memory_space<vmem>>, vector<1x16xf32>,
          %swap3A_172 = arith.index_cast %add3A_127 : i32 to index
          %swap3A_173 = arith.constant 80 : index
          %swap3A_174 = tpu.vector_load %arg15[%swap3A_172, %swap3A_173] {strides = array<i32>} : memref<16x128xf32, #tpu.memory_space<vmem>>, vector<1x16xf32>,
          %swap3A_175 = vector.shape_cast %swap3A_174 : vector<1x16xf32> to vector<16xf32>
          %swap3A_176 = vector.shape_cast %parallel_loop3A_147#5 : vector<16xf32> to vector<1x16xf32>
          tpu.vector_store %arg15[%swap3A_172, %swap3A_173], %swap3A_176 {strides = array<i32>} : memref<16x128xf32, #tpu.memory_space<vmem>>, vector<1x16xf32>,
          %swap3A_177 = arith.index_cast %add3A_127 : i32 to index
          %swap3A_178 = arith.constant 96 : index
          %swap3A_179 = tpu.vector_load %arg15[%swap3A_177, %swap3A_178] {strides = array<i32>} : memref<16x128xf32, #tpu.memory_space<vmem>>, vector<1x16xf32>,
          %swap3A_180 = vector.shape_cast %swap3A_179 : vector<1x16xf32> to vector<16xf32>
          %swap3A_181 = vector.shape_cast %parallel_loop3A_147#6 : vector<16xf32> to vector<1x16xf32>
          tpu.vector_store %arg15[%swap3A_177, %swap3A_178], %swap3A_181 {strides = array<i32>} : memref<16x128xf32, #tpu.memory_space<vmem>>, vector<1x16xf32>,
          %swap3A_182 = arith.index_cast %add3A_127 : i32 to index
          %swap3A_183 = arith.constant 112 : index
          %swap3A_184 = tpu.vector_load %arg15[%swap3A_182, %swap3A_183] {strides = array<i32>} : memref<16x128xf32, #tpu.memory_space<vmem>>, vector<1x16xf32>,
          %swap3A_185 = vector.shape_cast %swap3A_184 : vector<1x16xf32> to vector<16xf32>
          %swap3A_186 = vector.shape_cast %parallel_loop3A_147#7 : vector<16xf32> to vector<1x16xf32>
          tpu.vector_store %arg15[%swap3A_182, %swap3A_183], %swap3A_186 {strides = array<i32>} : memref<16x128xf32, #tpu.memory_space<vmem>>, vector<1x16xf32>,
        }
        %scan3A_109 = arith.constant 8 : i32
        %lt3A_110 = arith.constant 625 : i32
        %lt3A_111 = arith.cmpi slt, %add3A_79, %lt3A_110 : i32
        %convert_element_type3A_112 = arith.extui %lt3A_111 : i1 to i32
        %cond3A_113 = arith.constant 0 : i32
        %cond3A_114 = arith.cmpi ne, %convert_element_type3A_112, %cond3A_113 : i32
        scf.if %cond3A_114 {
          %mul3A_121 = arith.constant 512 : i32
          %mul3A_122 = arith.muli %add3A_79, %mul3A_121 : i32
          %dma_wait3A_123 = tpu.memref_slice %arg3[%mul3A_122] : memref<320000xi32, #tpu.memory_space<hbm>> -> memref<256xi32, #tpu.memory_space<hbm>>
          %dma_wait3A_124 = tpu.memref_slice %arg3[%mul3A_122] : memref<320000xi32, #tpu.memory_space<hbm>> -> memref<256xi32, #tpu.memory_space<hbm>>
          tpu.wait_dma2 semaphore(%arg18 : memref<!tpu.dma_semaphore, #tpu.memory_space<semaphore_mem>>) src(%dma_wait3A_124 : memref<256xi32, #tpu.memory_space<hbm>>) dst(%arg7 : memref<256xi32, #tpu.memory_space<vmem>>)
          %mul3A_125 = arith.constant 512 : i32
          %mul3A_126 = arith.muli %add3A_79, %mul3A_125 : i32
          %add3A_127 = arith.constant 256 : i32
          %add3A_128 = arith.addi %mul3A_126, %add3A_127 : i32
          %dma_wait3A_129 = tpu.memref_slice %arg3[%add3A_128] : memref<320000xi32, #tpu.memory_space<hbm>> -> memref<256xi32, #tpu.memory_space<hbm>>
          %dma_wait3A_130 = tpu.memref_slice %arg3[%add3A_128] : memref<320000xi32, #tpu.memory_space<hbm>> -> memref<256xi32, #tpu.memory_space<hbm>>
          tpu.wait_dma2 semaphore(%arg18 : memref<!tpu.dma_semaphore, #tpu.memory_space<semaphore_mem>>) src(%dma_wait3A_130 : memref<256xi32, #tpu.memory_space<hbm>>) dst(%arg9 : memref<256xi32, #tpu.memory_space<vmem>>)
          %dma_start3A_131 = arith.constant 0 : i32
          %dma_start3A_132 = arith.constant 0 : i32
          %dma_start3A_133 = tpu.memref_slice %arg2[%dma_start3A_131, %dma_start3A_132] : memref<10000x64xi32, #tpu.memory_space<hbm>> -> memref<10000x64xi32, #tpu.memory_space<hbm>>
          tpu.enqueue_indirect_dma source(%dma_start3A_133 : memref<10000x64xi32, #tpu.memory_space<hbm>>) target(%arg11 : memref<256x64xi32, #tpu.memory_space<vmem>>) offsets(%arg7 : memref<256xi32, #tpu.memory_space<vmem>>) semaphore(%arg20 : memref<!tpu.dma_semaphore, #tpu.memory_space<semaphore_mem>>)
          %dma_start3A_134 = arith.constant 0 : i32
          %dma_start3A_135 = arith.constant 0 : i32
          %dma_start3A_136 = tpu.memref_slice %arg5[%dma_start3A_134, %dma_start3A_135] : memref<10000x64xi32, #tpu.memory_space<vmem_shared>> -> memref<10000x64xi32, #tpu.memory_space<vmem_shared>>
          tpu.enqueue_indirect_dma source(%dma_start3A_136 : memref<10000x64xi32, #tpu.memory_space<vmem_shared>>) target(%arg13 : memref<256x64xi32, #tpu.memory_space<vmem>>) offsets(%arg9 : memref<256xi32, #tpu.memory_space<vmem>>) semaphore(%arg22 : memref<!tpu.dma_semaphore, #tpu.memory_space<semaphore_mem>>)
        } else {
        }
        %mul3A_115 = arith.constant 16 : i32
        %mul3A_116 = arith.muli %add3A_77, %mul3A_115 : i32
        %dma_start3A_117 = arith.constant 0 : i32
        %dma_start3A_118 = tpu.memref_slice %arg4[%mul3A_116, %dma_start3A_117] : memref<10000x128xf32, #tpu.memory_space<hbm>> -> memref<16x128xf32, #tpu.memory_space<hbm>>
        %dma_start3A_119 = arith.constant 0 : i32
        %dma_start3A_120 = tpu.memref_slice %arg4[%mul3A_116, %dma_start3A_119] : memref<10000x128xf32, #tpu.memory_space<hbm>> -> memref<16x128xf32, #tpu.memory_space<hbm>>
        tpu.enqueue_dma source(%arg15 : memref<16x128xf32, #tpu.memory_space<vmem>>) target(%dma_start3A_120 : memref<16x128xf32, #tpu.memory_space<hbm>>) target_semaphore(%arg24 : memref<!tpu.dma_semaphore, #tpu.memory_space<semaphore_mem>>)
      } else {
      }
    }
    %scan3A_42 = arith.constant 10 : i32
    %dma_wait3A_43 = arith.constant 0 : i32
    %dma_wait3A_44 = arith.constant 0 : i32
    %dma_wait3A_45 = tpu.memref_slice %arg4[%dma_wait3A_43, %dma_wait3A_44] : memref<10000x128xf32, #tpu.memory_space<hbm>> -> memref<16x128xf32, #tpu.memory_space<hbm>>
    %dma_wait3A_46 = arith.constant 0 : i32
    %dma_wait3A_47 = arith.constant 0 : i32
    %dma_wait3A_48 = tpu.memref_slice %arg4[%dma_wait3A_46, %dma_wait3A_47] : memref<10000x128xf32, #tpu.memory_space<hbm>> -> memref<16x128xf32, #tpu.memory_space<hbm>>
    tpu.wait_dma2 semaphore(%arg23 : memref<!tpu.dma_semaphore, #tpu.memory_space<semaphore_mem>>) src(%arg14 : memref<16x128xf32, #tpu.memory_space<vmem>>) dst(%dma_wait3A_48 : memref<16x128xf32, #tpu.memory_space<hbm>>)
    %dma_wait3A_49 = arith.constant 0 : i32
    %dma_wait3A_50 = arith.constant 0 : i32
    %dma_wait3A_51 = tpu.memref_slice %arg4[%dma_wait3A_49, %dma_wait3A_50] : memref<10000x128xf32, #tpu.memory_space<hbm>> -> memref<16x128xf32, #tpu.memory_space<hbm>>
    %dma_wait3A_52 = arith.constant 0 : i32
    %dma_wait3A_53 = arith.constant 0 : i32
    %dma_wait3A_54 = tpu.memref_slice %arg4[%dma_wait3A_52, %dma_wait3A_53] : memref<10000x128xf32, #tpu.memory_space<hbm>> -> memref<16x128xf32, #tpu.memory_space<hbm>>
    tpu.wait_dma2 semaphore(%arg24 : memref<!tpu.dma_semaphore, #tpu.memory_space<semaphore_mem>>) src(%arg15 : memref<16x128xf32, #tpu.memory_space<vmem>>) dst(%dma_wait3A_54 : memref<16x128xf32, #tpu.memory_space<hbm>>)
    return
  }
}

</mosaic_0001>

<sc_bundles>
// kernel: kernel.3.cloned.1.call-start
scs
__scs_entry_jumppad:
0x0: {  	(pc) =	sbr.rel $0x88, $3  }
0x1: {  	(tag) =	ssettag $0x0;
	lr =	simm.s32 $0x1  }
0x2: {  	[smem:$0x3F9F] =	sst lr;
	_ =	strace $0xD0000000  }
0x3: {  	_ = 	snop  }
0x4: {  	_ = 	snop  }
0x5: {  	_ = 	snop  }
0x6: {  	_ = 	snop  }
0x7: {  	_ = 	snop  }
__scs_overlays_trampoline_lowered:
0x8: {  	[smem:$0x3FAE] =	sst s0  }
0x9: {  	[smem:$0x3FAF] =	sst s1  }
0xa: {  	[smem:$0x3FB0] =	sst s2  }
0xb: {  	[smem:$0x3FB1] =	sst s3  }
0xc: {  	[smem:$0x3FB2] =	sst s4  }
0xd: {  	[smem:$0x3FB3] =	sst s5  }
0xe: {  	[smem:$0x3FB4] =	sst s6  }
0xf: {  	[smem:$0x3FB5] =	sst s7  }
0x10: {  	[smem:$0x3FB6] =	sst s8  }
0x11: {  	[smem:$0x3FB7] =	sst s9;
	s0 =	simm.s32 @!p0 $0x0  }
0x12: {  	s1 =	sld [smem:$0x3F9D];
	s0 =	simm.s32 @p0 $0x1  }
0x13: {  	[smem:$0x3FB8] =	sst s0;
	s0 =	simm.s32 @!p1 $0x0  }
0x14: {  	s2 =	sld [smem:$0x3F9C];
	s0 =	simm.s32 @p1 $0x1  }
0x15: {  	[smem:$0x3FB9] =	sst s0;
	s0 =	simm.s32 @!p2 $0x0  }
0x16: {  	s3 =	sld [smem:$0x3FDB];
	s0 =	simm.s32 @p2 $0x1  }
0x17: {  	s4 =	simm.s32 $0x1BF5;
	[smem:$0x3FBB] =	sst s0  }
0x18: {  	s0 =	sld [smem:$0x3F9E];
	_ =	swait.ge [sflag:s4], $0x0  }
0x19: {  	s7 =	sld [smem:$0x3F9F]  }
0x1a: {  	s8 =	sadd.s32 $0xFFFFE003, lr  }
0x1b: {  	s9 =	sadd.s32 $0xFFFFFEF7, lr;
	s5 =	simm.s32 $0xFFFFFFFF;
	p2 =	slt.u32 s8, $0xFFFFF086  }
0x1c: {  	p1 =	slt.u32 s9, $0xF7A;
	s5 =	simm.s32 @!p2 $0x0  }
0x1d: {  	s5 =	simm.s32 @p1 $0x1;
	p0 =	seq.s32 s7, s2  }
0x1e: {  	s7 =	smul.u32 @!p0 $0xF7A, s2;
	p2 =	seq.s32 @!p0 s5, $0x0  }
0x1f: {  	s9 =	smul.u32 $0xF7A, s1;
	s8 =	simm.s32 @!p0 $0x1BF5;
	p2 =	por !p2, p0  }
0x20: {  	[sflag:s8] =	ssyncset.s32 @!p0 $0xFFFFF086;
	s6 =	sadd.s32 @!p0 s3, s7;
	s7 =	simm.s32 @!p0 $0x108  }
0x21: {  	s3 =	sadd.s32 s3, s9;
	s6 =	sadd.s32 @!p0 $0x88, s6;
	s7 =	simm.s32 @p2 $0x1082  }
0x22: {  	[simem:s7], [sflag:s8] =	dma.local @!p0 [hbm:s6], $0xF7A  }
0x23: {  	s9 =	sor.u32 $0xD0000000, s2;
	s6 =	simm.s32 $0x108;
	_ =	swait.ge @!p0 [sflag:s8], $0x0  }
0x24: {  	s3 =	sadd.s32 $0x88, s3;
	s6 =	simm.s32 @!p1 $0x1082;
	[sflag:s4] =	ssyncset.s32 $0xFFFFF086  }
0x25: {  	[simem:s6], [sflag:s4] =	dma.local [hbm:s3], $0xF7A  }
0x26: {  	[smem:$0x3F9F] =	sst s1;
	(tag) =	ssettag s2;
	_ =	strace s9  }
0x27: {  	s1 =	sld [smem:$0x3FAF]  }
0x28: {  	s2 =	sld [smem:$0x3FB0]  }
0x29: {  	s4 =	sld [smem:$0x3FB2]  }
0x2a: {  	p0 =	seq.s32 s5, $0x0;
	s5 =	sld [smem:$0x3FB3]  }
0x2b: {  	s6 =	sld [smem:$0x3FB4]  }
0x2c: {  	s7 =	sld [smem:$0x3FB5]  }
0x2d: {  	s3 =	simm.s32 $0x108;
	s8 =	sld [smem:$0x3FB6]  }
0x2e: {  	s3 =	simm.s32 @!p0 $0x1082;
	s9 =	sld [smem:$0x3FB7]  }
0x2f: {  	lr =	sadd.s32 s0, s3;
	s0 =	sld [smem:$0x3FAE]  }
0x30: {  	s3 =	sld [smem:$0x3FB1]  }
0x31: {  	[smem:$0x3FBA] =	sst s10  }
0x32: {  	s10 =	sld [smem:$0x3FB8];
	_ =	sdelay $0x3  }
0x33: {  	p0 =	seq.s32 s10, $0x1;
	s10 =	sld [smem:$0x3FBA];
	_ =	sdelay $0x3  }
0x34: {  	[smem:$0x3FBA] =	sst s10  }
0x35: {  	s10 =	sld [smem:$0x3FB9];
	_ =	sdelay $0x3  }
0x36: {  	p1 =	seq.s32 s10, $0x1;
	s10 =	sld [smem:$0x3FBA];
	_ =	sdelay $0x3  }
0x37: {  	[smem:$0x3FBA] =	sst s10  }
0x38: {  	s10 =	sld [smem:$0x3FBB]  }
0x39: {  	_ = 	snop;
	(pc) =	sbr.ind lr, $3  }
0x3a: {  	_ = 	snop  }
0x3b: {  	_ = 	snop  }
0x3c: {  	p2 =	seq.s32 s10, $0x1;
	s10 =	sld [smem:$0x3FBA]  }
0x3d: {  	_ =	shalt  }
0x3e: {  	_ =	shalt  }
0x3f: {  	_ =	shalt  }
0x40: {  	_ =	shalt  }
0x41: {  	_ =	shalt  }
0x42: {  	_ =	shalt  }
0x43: {  	_ =	shalt  }
0x44: {  	_ =	shalt  }
0x45: {  	_ =	shalt  }
0x46: {  	_ =	shalt  }
0x47: {  	_ =	shalt  }
0x48: {  	_ =	shalt  }
0x49: {  	_ =	shalt  }
0x4a: {  	_ =	shalt  }
0x4b: {  	_ =	shalt  }
0x4c: {  	_ =	shalt  }
0x4d: {  	_ =	shalt  }
0x4e: {  	_ =	shalt  }
0x4f: {  	_ =	shalt  }
0x50: {  	_ =	shalt  }
0x51: {  	_ =	shalt  }
0x52: {  	_ =	shalt  }
0x53: {  	_ =	shalt  }
0x54: {  	_ =	shalt  }
0x55: {  	_ =	shalt  }
0x56: {  	_ =	shalt  }
0x57: {  	_ =	shalt  }
0x58: {  	_ =	shalt  }
0x59: {  	_ =	shalt  }
0x5a: {  	_ =	shalt  }
0x5b: {  	_ =	shalt  }
0x5c: {  	_ =	shalt  }
0x5d: {  	_ =	shalt  }
0x5e: {  	_ =	shalt  }
0x5f: {  	_ =	shalt  }
0x60: {  	_ =	shalt  }
0x61: {  	_ =	shalt  }
0x62: {  	_ =	shalt  }
0x63: {  	_ =	shalt  }
0x64: {  	_ =	shalt  }
0x65: {  	_ =	shalt  }
0x66: {  	_ =	shalt  }
0x67: {  	_ =	shalt  }
0x68: {  	_ =	shalt  }
0x69: {  	_ =	shalt  }
0x6a: {  	_ =	shalt  }
0x6b: {  	_ =	shalt  }
0x6c: {  	_ =	shalt  }
0x6d: {  	_ =	shalt  }
0x6e: {  	_ =	shalt  }
0x6f: {  	_ =	shalt  }
0x70: {  	_ =	shalt  }
0x71: {  	_ =	shalt  }
0x72: {  	_ =	shalt  }
0x73: {  	_ =	shalt  }
0x74: {  	_ =	shalt  }
0x75: {  	_ =	shalt  }
0x76: {  	_ =	shalt  }
0x77: {  	_ =	shalt  }
0x78: {  	_ =	shalt  }
0x79: {  	_ =	shalt  }
0x7a: {  	_ =	shalt  }
0x7b: {  	_ =	shalt  }
0x7c: {  	_ =	shalt  }
0x7d: {  	_ =	shalt  }
0x7e: {  	_ =	shalt  }
0x7f: {  	_ =	shalt  }
0x80: {  	_ =	shalt  }
0x81: {  	_ =	shalt  }
0x82: {  	_ =	shalt  }
0x83: {  	_ =	shalt  }
0x84: {  	_ =	shalt  }
0x85: {  	_ =	shalt  }
0x86: {  	_ =	shalt  }
0x87: {  	_ =	shalt  }
.Lfunc_end0:
.L_simem_size_0:
called_computation_lowered:
.L_overlay_start_0:
0x88: {  	s2 =	sld [smem:$0x3FD9]  }
0x89: {  	s3 =	sld [smem:$0x3FFE];
	_ =	sdelay $0x1  }
0x8a: {  	s1 =	srdreg.scid  }
0x8b: {  	s0 =	sand.u32 $0x1, s1  }
0x8c: {  	s17 =	sshll.u32 s0, $0xA;
	s2 =	sadd.s32 s3, s2  }
0x8d: {  	s2 =	sadd.s32 s2, s17  }
0x8e: {  	[smem:$0x3FC6] =	sst s2  }
0x8f: {  	_ = 	snop  }
0x90: {  	s2 =	sld [smem:$0x3FC8]  }
0x91: {  	s18 =	sld [smem:$0x3FD0];
	(tm) =	ssettm $0x1  }
0x92: {  	s4 =	sld [smem:$0x3FFB];
	_ =	sdelay $0x3  }
0x93: {  	_ =	strace s4  }
0x94: {  	s4 =	sld [smem:$0x3FFC];
	_ =	sdelay $0x3  }
0x95: {  	_ =	strace s4  }
0x96: {  	s4 =	sld [smem:$0x3FFD];
	_ =	sdelay $0x3  }
0x97: {  	_ =	strace s4  }
0x98: {  	_ =	strace $0x8FFFFFFF  }
0x99: {  	s19 =	sld [smem:$0x3FDB];
	_ =	sdelay $0x1  }
0x9a: {  	s5 =	simm.s32 $_scs_section_size  }
0x9b: {  	s6 =	simm.s32 $_size__tile_overlayer_lowered;
	s7 =	simm.s32 $_tile_overlayer_lowered  }
0x9c: {  	s22 =	simm.s32 $0x1BFF;
	s21 =	sshll.u32 s7, $0x1;
	s4 =	sadd.s32 s5, s19  }
0x9d: {  	s8 =	simm.s32 $0x0;
	s20 =	sshll.u32 s6, $0x1;
	s6 =	sadd.s32 s21, s4  }
0x9e: {  	[timem:s8], [sflag:s22] =	dma.local [hbm:s6], s20  }
0x9f: {  	_ =	swait.ge [sflag:s22], s20  }
0xa0: {  	s5 =	ssub.s32 $0x0, s20;
	[sflag:s22] =	ssyncset.done $0x0  }
0xa1: {  	[sflag:s22] =	ssyncadd.s32 s5;
	_ =	sdelay $0x1  }
0xa2: {  	s23 =	simm.s32 $0x1B8B  }
0xa3: {  	_ =	swait.ge [sflag:s23], $0x1  }
0xa4: {  	[sflag:s23] =	ssyncset.done $0x0  }
0xa5: {  	s25 =	simm.s32 $0x1B8E;
	s24 =	sld [smem:$0x3FFE];
	[sflag:s23] =	ssyncadd.s32 $0xFFFFFFFF  }
0xa6: {  	s26 =	simm.s32 $execute0_lowered;
	[smem:$0x3FD2] =	sst s25  }
0xa7: {  	s6 =	sshll.u32 s26, $0x1;
	_ =	strace $0x80000046;
	[dreg:$0x1] =	wrdreg $0xFFFFFFFF  }
0xa8: {  	s28 =	simm.s32 $_size_execute0_lowered;
	s4 =	sadd.s32 s4, s6;
	[dreg:$0x0] =	wrdreg $0x0  }
0xa9: {  	s6 =	sshll.u32 s28, $0x1;
	[dreg:$0x2] =	wrdreg s4  }
0xaa: {  	[dreg:$0x3] =	wrdreg s6  }
0xab: {  	[dreg:$0x4] =	wrdreg $0xC0  }
0xac: {  	_ =	task [dreg:s8], $0x5FFFF  }
0xad: {  	[dreg:$0x1] =	wrdreg $0xFFFFFFFF  }
0xae: {  	[dreg:$0x0] =	wrdreg $0x60  }
0xaf: {  	[dreg:$0x2] =	wrdreg s24  }
0xb0: {  	[dreg:$0x3] =	wrdreg s2  }
0xb1: {  	[dreg:$0x4] =	wrdreg s18  }
0xb2: {  	[dreg:$0x5] =	wrdreg $0x0  }
0xb3: {  	[dreg:$0x6] =	wrdreg $0x9  }
0xb4: {  	_ =	task.clear_ibuf [dreg:s8], $0x7FFFF;
	_ =	strace $0x90000046  }
0xb5: {  	s29 =	simm.s32 $0x9;
	_ =	strace $0x80000048  }
0xb6: {  	_ =	swait.ge [sflag:s29], $0x1  }
0xb7: {  	[sflag:s29] =	ssyncadd.s32 $0xFFFFFFFF  }
0xb8: {  	_ =	strace $0x90000048  }
0xb9: {  	_ =	sfence  }
0xba: {  	s30 =	sld [smem:$0x0];
	_ =	sdelay $0x2  }
0xbb: {  	s31 =	sshll.u32 s1, $0xD;
	s1 =	sshrl.u32 s1, $0x2  }
0xbc: {  	s3 =	sand.u32 $0x4000, s31;
	s1 =	sadd.s32 s1, s30  }
0xbd: {  	s0 =	sor.u32 s3, s0;
	s1 =	sshll.u32 s1, $0x11  }
0xbe: {  	s0 =	sor.u32 s1, s0  }
0xbf: {  	s0 =	sadd.s32 $0x8F2B, s0  }
0xc0: {  	[sflag:s0] =	ssyncadd.remote.s32 $0x1  }
0xc1: {  	_ =	sfence.sel $0xFFFF  }
0xc2: {  	[dreg:$0x0] =	wrdreg $0xFFFFFFFF;
	(pc) =	sbr.abs _section_cstart, $3  }
0xc3: {  	[dreg:$0x1] =	wrdreg $0xFFFFFFFF  }
0xc4: {  	_ =	task.clear_ibuf [dreg:s8], $0x2FFFF;
	_ =	strace $0x9FFFFFFF  }
0xc5: {  	(tm) =	ssettm $0x7FFFFFFF  }
tec
execute0_lowered:
.L_overlay_start_1:
0x0: {  	(tag) =	ssettag $0x1  }
0x1: {  	s0 =	rddreg [dreg:$0x0]  }
0x2: {  	s1 =	rddreg [dreg:$0x1]  }
0x3: {  	s2 =	rddreg [dreg:$0x2]  }
0x4: {  	s4 =	rddreg [dreg:$0x3]  }
0x5: {  	s3 =	srdreg.scid;
	s5 =	simm.s32 $0x0;
	s10 =	stileid.u32  }
0x6: {  	s17 =	simm.s32 $0x1;
	s29 =	simm.s32 $0x4;
	s30 =	simm.s32 $0x6  }
0x7: {  	s31 =	simm.s32 $0x1A040;
	s28 =	simm.s32 $0x0;
	s3 =	sand.u32 $0x1, s3  }
0x8: {  	[smem:$0x7FF] =	sst s5;
	s8 =	smul.u32 $0x9C40, s10;
	s6 =	sadd.s32 $0x400, s0  }
0x9: {  	s20 =	sshll.u32 s10, $0x1;
	s23 =	sshll.u32 s10, $0x6;
	s7 =	ssub.s32 $0x2, s3  }
0xa: {  	_ =	strace $0x80000047;
	s19 =	sshrl.u32 s7, $0x1;
	s9 =	sshrl.u32 s8, $0x3  }
0xb: {  	s21 =	sadd.s32 s8, s4;
	s8 =	sor.u32 $0x1C01, s23;
	s23 =	simm.s32 $0x8  }
0xc: {  	s0 =	ssub.s32 s7, s19;
	s7 =	sor.u32 s3, s20;
	s22 =	sadd.s32 s6, s9  }
0xd: {  	s9 =	sadd.s32 $0x20, s1;
	[dreg:$0x6] =	wrdreg s8;
	s16 =	sshrl.u32 s21, $0x3  }
0xe: {  	s19 =	simm.s32 $0xA;
	s21 =	simm.s32 $0x100;
	s3 =	simm.s32 $0x7  }
.Ltmp0:
0xf: {  	[dreg:$0x5] =	wrdreg s22;
	s24 =	sshll.u32 s7, $0x6;
	(pc) =	sbr.rel .LBB2_1-.Ltmp0, $4  }
0x10: {  	s15 =	smax.u32 s0, $0x1;
	s0 =	simm.s32 $0x5;
	s22 =	simm.s32 $0x1A840  }
0x11: {  	s11 =	sadd.s32 s1, s24;
	s25 =	sadd.s32 s24, s9;
	s24 =	simm.s32 $0x9D40  }
0x12: {  	[dreg:$0x7] =	wrdreg s25;
	s26 =	sadd.s32 $0x800, s11;
	s14 =	sadd.s32 $0x820, s11  }
0x13: {  	s25 =	simm.s32 $0x9F40;
	[dreg:$0x8] =	wrdreg s26;
	s26 =	simm.s32 $0x9  }
.LBB2_21:
0x14: {  	s28 =	sadd.s32 $0x1, s28  }
0x15: {  	_ =	swait.ge [sflag:s23], $0x800;
	p0 =	sne.s32 s28, s15  }
.Ltmp1:
0x16: {  	[sflag:s23] =	ssyncset.done $0x0;
	(pc) =	sbr.rel @!p0 .LBB2_22-.Ltmp1, $4  }
0x17: {  	[sflag:s23] =	ssyncadd.s32 $0xFFFFF800  }
0x18: {  	_ =	swait.ge [sflag:s26], $0x800  }
0x19: {  	[sflag:s26] =	ssyncset.done $0x0  }
0x1a: {  	[sflag:s26] =	ssyncadd.s32 $0xFFFFF800  }
.LBB2_1:
0x1b: {  	s8 =	rddreg [dreg:$0x5]  }
0x1c: {  	s10 =	rddreg [dreg:$0x6]  }
0x1d: {  	[spmem:s16], [sflag:s10] =	dma.local [hbm:s8], $0x1388  }
0x1e: {  	_ =	swait.ge [sflag:s17], $0x1388  }
0x1f: {  	[sflag:s17] =	ssyncset.done $0x0  }
0x20: {  	[sflag:s17] =	ssyncadd.s32 $0xFFFFEC78  }
0x21: {  	s13 =	simm.s32 $0x9C40;
	[bflag:$0x0] =	sbarrier.arrive $0xFFFF  }
0x22: {  	[tilespmem:s13], [sflag:$0xA] =	stream.linear.gather [hbm4b:s11+s5], $0x100, $0x38;
	[tilespmem:$0x1B040] =	vst v63  }
0x23: {  	_ =	swait.ge [sflag:s19], $0x100  }
0x24: {  	[sflag:s19] =	ssyncset.done $0x0  }
0x25: {  	s12 =	simm.s32 $0x9E40;
	s18 =	rddreg [dreg:$0x7];
	[sflag:s19] =	ssyncadd.s32 $0xFFFFFF00  }
0x26: {  	[tilespmem:s12], [sflag:$0xA] =	stream.linear.gather [hbm4b:s18+s5], $0x100, $0x38;
	[tilespmem:$0x1B040] =	vst v63  }
0x27: {  	_ =	swait.ge [sflag:s19], $0x100  }
0x28: {  	[sflag:s19] =	ssyncset.done $0x0  }
0x29: {  	s20 =	simm.s32 $0xA040;
	[sflag:s19] =	ssyncadd.s32 $0xFFFFFF00  }
0x2a: {  	[tilespmem:s20], [sflag:$0x4] =	stream.indirect.gather [hbm4b:s6+s21], $0x40, s13, s21, $0xb8;
	[tilespmem:$0x1B040] =	vst v63  }
0x2b: {  	s10 =	simm.s32 $0x12040  }
0x2c: {  	[tilespmem:s10], [sflag:$0x6] =	stream.indirect.gather [spmem:s4], $0x40, s12, s21, $0xb8;
	[tilespmem:$0x1B040] =	vst v63  }
0x2d: {  	s13 =	rddreg [dreg:$0x8]  }
0x2e: {  	[tilespmem:s24], [sflag:$0xA] =	stream.linear.gather [hbm4b:s13+s5], $0x100, $0x38;
	[tilespmem:$0x1B040] =	vst v63  }
0x2f: {  	_ =	swait.ge [sflag:s19], $0x100  }
0x30: {  	[sflag:s19] =	ssyncset.done $0x0  }
0x31: {  	[sflag:s19] =	ssyncadd.s32 $0xFFFFFF00  }
0x32: {  	[tilespmem:s25], [sflag:$0xA] =	stream.linear.gather [hbm4b:s14+s5], $0x100, $0x38;
	[tilespmem:$0x1B040] =	vst v63  }
0x33: {  	_ =	swait.ge [sflag:s19], $0x100  }
.Ltmp2:
0x34: {  	[sflag:s19] =	ssyncset.done $0x0;
	(pc) =	sbr.rel .LBB2_2-.Ltmp2, $4  }
0x35: {  	s18 =	simm.s32 $0xE040;
	[sflag:s19] =	ssyncadd.s32 $0xFFFFFF00  }
0x36: {  	[tilespmem:s18], [sflag:$0x5] =	stream.indirect.gather [hbm4b:s6+s21], $0x40, s24, s21, $0xb8;
	[tilespmem:$0x1B040] =	vst v63  }
0x37: {  	s8 =	simm.s32 $0x0;
	s20 =	simm.s32 $0x16040  }
0x38: {  	[tilespmem:s20], [sflag:$0x7] =	stream.indirect.gather [spmem:s4], $0x40, s25, s21, $0xb8;
	[tilespmem:$0x1B040] =	vst v63  }
.LBB2_20:
0x39: {  	s8 =	sadd.s32 $0x1, s8  }
0x3a: {  	p0 =	sne.s32 s8, $0xA  }
.Ltmp3:
0x3b: {  	_ = 	snop;
	(pc) =	sbr.rel @!p0 .LBB2_21-.Ltmp3, $1  }
0x3c: {  	_ =	sdelay $0x3  }
.LBB2_2:
0x3d: {  	_ =	swait.ge [sflag:s29], $0x4000;
	s10 =	sshll.u32 s8, $0x6  }
0x3e: {  	[sflag:s29] =	ssyncset.done $0x0;
	s10 =	sor.u32 s7, s10  }
0x3f: {  	[sflag:s29] =	ssyncadd.s32 $0xFFFFC000;
	p1 =	sgt.u32 s10, $0x230  }
0x40: {  	_ =	swait.ge [sflag:s30], $0x4000;
	s12 =	sshll.u32 @!p1 s10, $0x6  }
0x41: {  	s20 =	simm.s32 @!p1 $0x0;
	[sflag:s30] =	ssyncset.done $0x0;
	s12 =	sadd.s32 @!p1 $0x1000, s12  }
0x42: {  	s13 =	simm.s32 @!p1 $0x9C40;
	[sflag:s30] =	ssyncadd.s32 $0xFFFFC000;
	s18 =	sadd.s32 @!p1 s1, s12  }
0x43: {  	[tilespmem:s13], [sflag:$0x2] =	stream.linear.gather @!p1 [hbm4b:s18+s20], $0x100, $0x38;
	[tilespmem:$0x1B040] =	vst v63  }
0x44: {  	p0 =	seq.s32 s8, $0x0;
	s12 =	sadd.s32 @!p1 s12, s9;
	s13 =	simm.s32 @!p1 $0x9E40  }
0x45: {  	[tilespmem:s13], [sflag:$0x2] =	stream.linear.gather @!p1 [hbm4b:s12+s20], $0x100, $0x38;
	[tilespmem:$0x1B040] =	vst v63  }
0x46: {  	s12 =	simm.s32 @!p0 $0x8  }
0x47: {  	_ =	swait.ge @!p0 [sflag:s12], $0x800  }
0x48: {  	[sflag:s12] =	ssyncset.done @!p0 $0x0  }
0x49: {  	s18 =	simm.s32 $0x0;
	[sflag:s12] =	ssyncadd.s32 @!p0 $0xFFFFF800;
	s12 =	simm.s32 $0xA060  }
.LBB2_3:
0x4a: {  	v9 =	vmov s12;
	_ =	sdelay $0x3  }
0x4b: {  	s13 =	simm.s32 $0x0  }
0x4c: {  	v0 =	vld.idx.msk [tilespmem:v9+s13+$0x10 ss:$0x1], $0xffff  }
0x4d: {  	v1 =	vimm.f32 $0.0e+00;
	v3 =	vimm.f32 $0.0e+00;
	v2 =	vld.idx.msk [tilespmem:v9+s13+$0xFFFFFFE0 ss:$0x1], $0xffff  }
0x4e: {  	v7 =	vimm.f32 $0.0e+00;
	v10 =	vimm.f32 $0.0e+00;
	v5 =	vimm.f32 $0.0e+00;
	v4 =	vld.idx.msk [tilespmem:v9+s13+$0xFFFFFFF0 ss:$0x1], $0xffff  }
0x4f: {  	s20 =	simm.s32 $0x100;
	v12 =	vimm.f32 $0.0e+00;
	v8 =	vimm.f32 $0.0e+00;
	v11 =	vimm.f32 $0.0e+00;
	v6 =	vld.idx.msk [tilespmem:v9+s13+$0x0 ss:$0x1], $0xffff  }
.LBB2_4:
0x50: {  	s13 =	sshra.s32 s20, $0x2;
	p2 =	sne.s32 s20, $0x1F00;
	s20 =	sadd.s32 $0x100, s20  }
.Ltmp4:
0x51: {  	v13 =	vshll.u32 v0, $0x10;
	v1 =	vadd.f32 v0, v1;
	v0 =	vld.idx.msk [tilespmem:v9+s13+$0x10 ss:$0x1], $0xffff;
	(pc) =	sbr.rel @p2 .LBB2_4-.Ltmp4, $4  }
0x52: {  	v14 =	vshll.u32 v2, $0x10;
	v3 =	vadd.f32 v2, v3;
	v7 =	vadd.f32 v13, v7;
	v2 =	vld.idx.msk [tilespmem:v9+s13+$0xFFFFFFE0 ss:$0x1], $0xffff  }
0x53: {  	v10 =	vadd.f32 v14, v10;
	v13 =	vshll.u32 v4, $0x10;
	v5 =	vadd.f32 v4, v5;
	v4 =	vld.idx.msk [tilespmem:v9+s13+$0xFFFFFFF0 ss:$0x1], $0xffff  }
0x54: {  	v12 =	vadd.f32 v13, v12;
	v13 =	vshll.u32 v6, $0x10;
	v8 =	vadd.f32 v6, v8;
	v6 =	vld.idx.msk [tilespmem:v9+s13+$0x0 ss:$0x1], $0xffff  }
0x55: {  	v11 =	vadd.f32 v13, v11  }
0x56: {  	s13 =	sshll.u32 s18, $0x7;
	v59 =	vshll.u32 v0, $0x10;
	v63 =	vadd.f32 v0, v1  }
0x57: {  	s13 =	sand.u32 $0x3FFFFF80, s13;
	v7 =	vadd.f32 v59, v7  }
0x58: {  	v9 =	vshll.u32 v2, $0x10;
	v60 =	vadd.f32 v2, v3;
	[tilespmem:s13+$0x1A0B0] =	vst v63  }
0x59: {  	s18 =	sadd.s32 $0x1, s18;
	v9 =	vadd.f32 v9, v10;
	[tilespmem:s13+$0x1A070] =	vst v7  }
0x5a: {  	p2 =	sne.s32 s18, $0x8;
	v57 =	vshll.u32 v4, $0x10;
	v61 =	vadd.f32 v4, v5;
	[tilespmem:s13+$0x1A080] =	vst v60  }
.Ltmp5:
0x5b: {  	v10 =	vadd.f32 v57, v12;
	[tilespmem:s13+$0x1A040] =	vst v9;
	(pc) =	sbr.rel @p2 .LBB2_3-.Ltmp5, $4  }
0x5c: {  	v58 =	vshll.u32 v6, $0x10;
	v62 =	vadd.f32 v6, v8;
	[tilespmem:s13+$0x1A090] =	vst v61  }
0x5d: {  	v11 =	vadd.f32 v58, v11;
	[tilespmem:s13+$0x1A050] =	vst v10  }
0x5e: {  	[tilespmem:s13+$0x1A0A0] =	vst v62  }
0x5f: {  	s12 =	sadd.s32 $0x800, s12;
	[tilespmem:s13+$0x1A060] =	vst v11  }
0x60: {  	s18 =	simm.s32 $0x0;
	s12 =	simm.s32 $0x12060  }
.LBB2_7:
0x61: {  	v9 =	vmov s12;
	_ =	sdelay $0x3  }
0x62: {  	s13 =	simm.s32 $0x0  }
0x63: {  	v0 =	vld.idx.msk [tilespmem:v9+s13+$0x10 ss:$0x1], $0xffff  }
0x64: {  	v1 =	vimm.f32 $0.0e+00;
	v3 =	vimm.f32 $0.0e+00;
	v2 =	vld.idx.msk [tilespmem:v9+s13+$0xFFFFFFE0 ss:$0x1], $0xffff  }
0x65: {  	v7 =	vimm.f32 $0.0e+00;
	v10 =	vimm.f32 $0.0e+00;
	v5 =	vimm.f32 $0.0e+00;
	v4 =	vld.idx.msk [tilespmem:v9+s13+$0xFFFFFFF0 ss:$0x1], $0xffff  }
0x66: {  	s20 =	simm.s32 $0x100;
	v12 =	vimm.f32 $0.0e+00;
	v8 =	vimm.f32 $0.0e+00;
	v11 =	vimm.f32 $0.0e+00;
	v6 =	vld.idx.msk [tilespmem:v9+s13+$0x0 ss:$0x1], $0xffff  }
.LBB2_8:
0x67: {  	s13 =	sshra.s32 s20, $0x2;
	p2 =	sne.s32 s20, $0x1F00;
	s20 =	sadd.s32 $0x100, s20  }
.Ltmp6:
0x68: {  	v13 =	vshll.u32 v0, $0x10;
	v1 =	vadd.f32 v0, v1;
	v0 =	vld.idx.msk [tilespmem:v9+s13+$0x10 ss:$0x1], $0xffff;
	(pc) =	sbr.rel @p2 .LBB2_8-.Ltmp6, $4  }
0x69: {  	v14 =	vshll.u32 v2, $0x10;
	v3 =	vadd.f32 v2, v3;
	v7 =	vadd.f32 v13, v7;
	v2 =	vld.idx.msk [tilespmem:v9+s13+$0xFFFFFFE0 ss:$0x1], $0xffff  }
0x6a: {  	v10 =	vadd.f32 v14, v10;
	v13 =	vshll.u32 v4, $0x10;
	v5 =	vadd.f32 v4, v5;
	v4 =	vld.idx.msk [tilespmem:v9+s13+$0xFFFFFFF0 ss:$0x1], $0xffff  }
0x6b: {  	v12 =	vadd.f32 v13, v12;
	v13 =	vshll.u32 v6, $0x10;
	v8 =	vadd.f32 v6, v8;
	v6 =	vld.idx.msk [tilespmem:v9+s13+$0x0 ss:$0x1], $0xffff  }
0x6c: {  	v11 =	vadd.f32 v13, v11  }
0x6d: {  	s13 =	sshll.u32 s18, $0x7;
	v59 =	vshll.u32 v0, $0x10;
	v63 =	vadd.f32 v0, v1  }
0x6e: {  	s13 =	sand.u32 $0x3FFFFF80, s13;
	v7 =	vadd.f32 v59, v7  }
0x6f: {  	v9 =	vshll.u32 v2, $0x10;
	v60 =	vadd.f32 v2, v3;
	[tilespmem:s13+$0x1A4B0] =	vst v63  }
0x70: {  	s18 =	sadd.s32 $0x1, s18;
	v9 =	vadd.f32 v9, v10;
	[tilespmem:s13+$0x1A470] =	vst v7  }
0x71: {  	p2 =	sne.s32 s18, $0x8;
	v57 =	vshll.u32 v4, $0x10;
	v61 =	vadd.f32 v4, v5;
	[tilespmem:s13+$0x1A480] =	vst v60  }
.Ltmp7:
0x72: {  	v10 =	vadd.f32 v57, v12;
	[tilespmem:s13+$0x1A440] =	vst v9;
	(pc) =	sbr.rel @p2 .LBB2_7-.Ltmp7, $4  }
0x73: {  	v58 =	vshll.u32 v6, $0x10;
	v62 =	vadd.f32 v6, v8;
	[tilespmem:s13+$0x1A490] =	vst v61  }
0x74: {  	v11 =	vadd.f32 v58, v11;
	[tilespmem:s13+$0x1A450] =	vst v10  }
0x75: {  	[tilespmem:s13+$0x1A4A0] =	vst v62  }
0x76: {  	s12 =	sadd.s32 $0x800, s12;
	[tilespmem:s13+$0x1A460] =	vst v11  }
0x77: {  	s12 =	simm.s32 @!p1 $0x2  }
0x78: {  	_ =	swait.ge @!p1 [sflag:s12], $0x100  }
0x79: {  	[sflag:s12] =	ssyncset.done @!p1 $0x0  }
0x7a: {  	[sflag:s12] =	ssyncadd.s32 @!p1 $0xFFFFFF00  }
0x7b: {  	_ =	swait.ge @!p1 [sflag:s12], $0x100  }
0x7c: {  	s13 =	simm.s32 @!p1 $0x9C40;
	[sflag:s12] =	ssyncset.done @!p1 $0x0  }
0x7d: {  	s18 =	simm.s32 @!p1 $0xA040;
	[sflag:s12] =	ssyncadd.s32 @!p1 $0xFFFFFF00;
	s12 =	simm.s32 @!p1 $0x100  }
0x7e: {  	[tilespmem:s18], [sflag:$0x4] =	stream.indirect.gather @!p1 [hbm4b:s6+s12], $0x40, s13, s12, $0xb8;
	[tilespmem:$0x1B040] =	vst v63  }
0x7f: {  	s13 =	simm.s32 @!p1 $0x9E40;
	s18 =	simm.s32 @!p1 $0x12040  }
0x80: {  	[tilespmem:s18], [sflag:$0x6] =	stream.indirect.gather @!p1 [spmem:s4], $0x40, s13, s12, $0xb8;
	[tilespmem:$0x1B040] =	vst v63  }
0x81: {  	s18 =	sor.u32 $0x20, s10  }
0x82: {  	p1 =	sgt.u32 s18, $0x270  }
.Ltmp8:
0x83: {  	_ = 	snop;
	(pc) =	sbr.rel @p1 .LBB2_20-.Ltmp8, $4  }
0x84: {  	_ = 	snop  }
0x85: {  	s20 =	sshll.u32 s10, $0x8  }
0x86: {  	s12 =	sadd.s32 s2, s20  }
0x87: {  	[hbm4b:s12+s5] =	stream.linear.scatter [tilespmem:s31], [sflag:$0x8], $0x800, $0x38;
	[tilespmem:$0x1B040] =	vst v63  }
0x88: {  	_ =	swait.ge [sflag:s0], $0x4000  }
0x89: {  	[sflag:s0] =	ssyncset.done $0x0  }
0x8a: {  	p1 =	sgt.u32 s10, $0x210;
	[sflag:s0] =	ssyncadd.s32 $0xFFFFC000  }
0x8b: {  	s10 =	sshll.u32 @!p1 s10, $0x6;
	_ =	swait.ge [sflag:s3], $0x4000  }
0x8c: {  	s13 =	simm.s32 @!p1 $0x0;
	s10 =	sadd.s32 @!p1 $0x1800, s10;
	[sflag:s3] =	ssyncset.done $0x0  }
0x8d: {  	s20 =	simm.s32 @!p1 $0x9D40;
	s12 =	sadd.s32 @!p1 s1, s10;
	[sflag:s3] =	ssyncadd.s32 $0xFFFFC000  }
0x8e: {  	[tilespmem:s20], [sflag:$0x3] =	stream.linear.gather @!p1 [hbm4b:s12+s13], $0x100, $0x38;
	[tilespmem:$0x1B040] =	vst v63  }
0x8f: {  	s10 =	sadd.s32 @!p1 s10, s9;
	s12 =	simm.s32 @!p1 $0x9F40  }
0x90: {  	[tilespmem:s12], [sflag:$0x3] =	stream.linear.gather @!p1 [hbm4b:s10+s13], $0x100, $0x38;
	[tilespmem:$0x1B040] =	vst v63  }
0x91: {  	s10 =	simm.s32 @!p0 $0x9  }
0x92: {  	_ =	swait.ge @!p0 [sflag:s10], $0x800  }
0x93: {  	[sflag:s10] =	ssyncset.done @!p0 $0x0  }
0x94: {  	s12 =	simm.s32 $0xE060;
	[sflag:s10] =	ssyncadd.s32 @!p0 $0xFFFFF800;
	s10 =	simm.s32 $0x0  }
.LBB2_12:
0x95: {  	v9 =	vmov s12;
	_ =	sdelay $0x3  }
0x96: {  	s13 =	simm.s32 $0x0  }
0x97: {  	v0 =	vld.idx.msk [tilespmem:v9+s13+$0x10 ss:$0x1], $0xffff  }
0x98: {  	v1 =	vimm.f32 $0.0e+00;
	v3 =	vimm.f32 $0.0e+00;
	v2 =	vld.idx.msk [tilespmem:v9+s13+$0xFFFFFFE0 ss:$0x1], $0xffff  }
0x99: {  	v7 =	vimm.f32 $0.0e+00;
	v10 =	vimm.f32 $0.0e+00;
	v5 =	vimm.f32 $0.0e+00;
	v4 =	vld.idx.msk [tilespmem:v9+s13+$0xFFFFFFF0 ss:$0x1], $0xffff  }
0x9a: {  	s20 =	simm.s32 $0x100;
	v12 =	vimm.f32 $0.0e+00;
	v8 =	vimm.f32 $0.0e+00;
	v11 =	vimm.f32 $0.0e+00;
	v6 =	vld.idx.msk [tilespmem:v9+s13+$0x0 ss:$0x1], $0xffff  }
.LBB2_13:
0x9b: {  	s13 =	sshra.s32 s20, $0x2;
	p0 =	sne.s32 s20, $0x1F00;
	s20 =	sadd.s32 $0x100, s20  }
.Ltmp9:
0x9c: {  	v13 =	vshll.u32 v0, $0x10;
	v1 =	vadd.f32 v0, v1;
	v0 =	vld.idx.msk [tilespmem:v9+s13+$0x10 ss:$0x1], $0xffff;
	(pc) =	sbr.rel @p0 .LBB2_13-.Ltmp9, $4  }
0x9d: {  	v14 =	vshll.u32 v2, $0x10;
	v3 =	vadd.f32 v2, v3;
	v7 =	vadd.f32 v13, v7;
	v2 =	vld.idx.msk [tilespmem:v9+s13+$0xFFFFFFE0 ss:$0x1], $0xffff  }
0x9e: {  	v10 =	vadd.f32 v14, v10;
	v13 =	vshll.u32 v4, $0x10;
	v5 =	vadd.f32 v4, v5;
	v4 =	vld.idx.msk [tilespmem:v9+s13+$0xFFFFFFF0 ss:$0x1], $0xffff  }
0x9f: {  	v12 =	vadd.f32 v13, v12;
	v13 =	vshll.u32 v6, $0x10;
	v8 =	vadd.f32 v6, v8;
	v6 =	vld.idx.msk [tilespmem:v9+s13+$0x0 ss:$0x1], $0xffff  }
0xa0: {  	v11 =	vadd.f32 v13, v11  }
0xa1: {  	s13 =	sshll.u32 s10, $0x7;
	v59 =	vshll.u32 v0, $0x10;
	v63 =	vadd.f32 v0, v1  }
0xa2: {  	s13 =	sand.u32 $0x3FFFFF80, s13;
	v7 =	vadd.f32 v59, v7  }
0xa3: {  	v9 =	vshll.u32 v2, $0x10;
	v60 =	vadd.f32 v2, v3;
	[tilespmem:s13+$0x1A8B0] =	vst v63  }
0xa4: {  	s10 =	sadd.s32 $0x1, s10;
	v9 =	vadd.f32 v9, v10;
	[tilespmem:s13+$0x1A870] =	vst v7  }
0xa5: {  	p0 =	sne.s32 s10, $0x8;
	v57 =	vshll.u32 v4, $0x10;
	v61 =	vadd.f32 v4, v5;
	[tilespmem:s13+$0x1A880] =	vst v60  }
.Ltmp10:
0xa6: {  	v10 =	vadd.f32 v57, v12;
	[tilespmem:s13+$0x1A840] =	vst v9;
	(pc) =	sbr.rel @p0 .LBB2_12-.Ltmp10, $4  }
0xa7: {  	v58 =	vshll.u32 v6, $0x10;
	v62 =	vadd.f32 v6, v8;
	[tilespmem:s13+$0x1A890] =	vst v61  }
0xa8: {  	v11 =	vadd.f32 v58, v11;
	[tilespmem:s13+$0x1A850] =	vst v10  }
0xa9: {  	[tilespmem:s13+$0x1A8A0] =	vst v62  }
0xaa: {  	s12 =	sadd.s32 $0x800, s12;
	[tilespmem:s13+$0x1A860] =	vst v11  }
0xab: {  	s10 =	simm.s32 $0x0;
	s12 =	simm.s32 $0x16060  }
.LBB2_16:
0xac: {  	v9 =	vmov s12;
	_ =	sdelay $0x3  }
0xad: {  	s13 =	simm.s32 $0x0  }
0xae: {  	v0 =	vld.idx.msk [tilespmem:v9+s13+$0x10 ss:$0x1], $0xffff  }
0xaf: {  	v1 =	vimm.f32 $0.0e+00;
	v3 =	vimm.f32 $0.0e+00;
	v2 =	vld.idx.msk [tilespmem:v9+s13+$0xFFFFFFE0 ss:$0x1], $0xffff  }
0xb0: {  	v7 =	vimm.f32 $0.0e+00;
	v10 =	vimm.f32 $0.0e+00;
	v5 =	vimm.f32 $0.0e+00;
	v4 =	vld.idx.msk [tilespmem:v9+s13+$0xFFFFFFF0 ss:$0x1], $0xffff  }
0xb1: {  	s20 =	simm.s32 $0x100;
	v12 =	vimm.f32 $0.0e+00;
	v8 =	vimm.f32 $0.0e+00;
	v11 =	vimm.f32 $0.0e+00;
	v6 =	vld.idx.msk [tilespmem:v9+s13+$0x0 ss:$0x1], $0xffff  }
.LBB2_17:
0xb2: {  	s13 =	sshra.s32 s20, $0x2;
	p0 =	sne.s32 s20, $0x1F00;
	s20 =	sadd.s32 $0x100, s20  }
.Ltmp11:
0xb3: {  	v13 =	vshll.u32 v0, $0x10;
	v1 =	vadd.f32 v0, v1;
	v0 =	vld.idx.msk [tilespmem:v9+s13+$0x10 ss:$0x1], $0xffff;
	(pc) =	sbr.rel @p0 .LBB2_17-.Ltmp11, $4  }
0xb4: {  	v14 =	vshll.u32 v2, $0x10;
	v3 =	vadd.f32 v2, v3;
	v7 =	vadd.f32 v13, v7;
	v2 =	vld.idx.msk [tilespmem:v9+s13+$0xFFFFFFE0 ss:$0x1], $0xffff  }
0xb5: {  	v10 =	vadd.f32 v14, v10;
	v13 =	vshll.u32 v4, $0x10;
	v5 =	vadd.f32 v4, v5;
	v4 =	vld.idx.msk [tilespmem:v9+s13+$0xFFFFFFF0 ss:$0x1], $0xffff  }
0xb6: {  	v12 =	vadd.f32 v13, v12;
	v13 =	vshll.u32 v6, $0x10;
	v8 =	vadd.f32 v6, v8;
	v6 =	vld.idx.msk [tilespmem:v9+s13+$0x0 ss:$0x1], $0xffff  }
0xb7: {  	v11 =	vadd.f32 v13, v11  }
0xb8: {  	s13 =	sshll.u32 s10, $0x7;
	v59 =	vshll.u32 v0, $0x10;
	v63 =	vadd.f32 v0, v1  }
0xb9: {  	s13 =	sand.u32 $0x3FFFFF80, s13;
	v7 =	vadd.f32 v59, v7  }
0xba: {  	v9 =	vshll.u32 v2, $0x10;
	v60 =	vadd.f32 v2, v3;
	[tilespmem:s13+$0x1ACB0] =	vst v63  }
0xbb: {  	s10 =	sadd.s32 $0x1, s10;
	v9 =	vadd.f32 v9, v10;
	[tilespmem:s13+$0x1AC70] =	vst v7  }
0xbc: {  	p0 =	sne.s32 s10, $0x8;
	v57 =	vshll.u32 v4, $0x10;
	v61 =	vadd.f32 v4, v5;
	[tilespmem:s13+$0x1AC80] =	vst v60  }
.Ltmp12:
0xbd: {  	v10 =	vadd.f32 v57, v12;
	[tilespmem:s13+$0x1AC40] =	vst v9;
	(pc) =	sbr.rel @p0 .LBB2_16-.Ltmp12, $4  }
0xbe: {  	v58 =	vshll.u32 v6, $0x10;
	v62 =	vadd.f32 v6, v8;
	[tilespmem:s13+$0x1AC90] =	vst v61  }
0xbf: {  	v11 =	vadd.f32 v58, v11;
	[tilespmem:s13+$0x1AC50] =	vst v10  }
0xc0: {  	[tilespmem:s13+$0x1ACA0] =	vst v62  }
0xc1: {  	s12 =	sadd.s32 $0x800, s12;
	[tilespmem:s13+$0x1AC60] =	vst v11  }
0xc2: {  	s10 =	simm.s32 @!p1 $0x3  }
0xc3: {  	_ =	swait.ge @!p1 [sflag:s10], $0x100  }
0xc4: {  	[sflag:s10] =	ssyncset.done @!p1 $0x0  }
0xc5: {  	[sflag:s10] =	ssyncadd.s32 @!p1 $0xFFFFFF00  }
0xc6: {  	_ =	swait.ge @!p1 [sflag:s10], $0x100  }
0xc7: {  	s12 =	simm.s32 @!p1 $0x9D40;
	[sflag:s10] =	ssyncset.done @!p1 $0x0  }
0xc8: {  	s13 =	simm.s32 @!p1 $0xE040;
	[sflag:s10] =	ssyncadd.s32 @!p1 $0xFFFFFF00;
	s10 =	simm.s32 @!p1 $0x100  }
0xc9: {  	[tilespmem:s13], [sflag:$0x5] =	stream.indirect.gather @!p1 [hbm4b:s6+s10], $0x40, s12, s10, $0xb8;
	[tilespmem:$0x1B040] =	vst v63  }
.Ltmp13:
0xca: {  	_ = 	snop;
	(pc) =	sbr.rel .LBB2_20-.Ltmp13, $4  }
0xcb: {  	s20 =	sshll.u32 s18, $0x8;
	s12 =	simm.s32 @!p1 $0x9F40;
	s13 =	simm.s32 @!p1 $0x16040  }
0xcc: {  	[tilespmem:s13], [sflag:$0x7] =	stream.indirect.gather @!p1 [spmem:s4], $0x40, s12, s10, $0xb8;
	[tilespmem:$0x1B040] =	vst v63  }
0xcd: {  	s10 =	sadd.s32 s2, s20  }
0xce: {  	[hbm4b:s10+s5] =	stream.linear.scatter [tilespmem:s22], [sflag:$0x9], $0x800, $0x38;
	[tilespmem:$0x1B040] =	vst v63  }
.LBB2_22:
0xcf: {  	_ =	sfence.sel $0x180000  }
0xd0: {  	[bflag:$0x0] =	sbarrier.arrive $0xFFFF  }
0xd1: {  	_ =	strace $0x90000047  }
0xd2: {  	s0 =	stileid.u32;
	[bflag:$0x2] =	sbarrier.arrive $0xFFFF  }
0xd3: {  	p0 =	sne.s32 s0, $0x0;
	s0 =	rddreg [dreg:$0x4]  }
0xd4: {  	s0 =	sadd.s32 @!p0 $0x100000, s0  }
0xd5: {  	[sflag:s0] =	ssyncadd.tile.s32 @!p0 $0x1;
	_ =	shalt  }
.Lfunc_end2:
_tile_overlayer_lowered:
.L_overlay_start_2:
0xd6: {  	(tag) =	ssettag $0x2  }
0xd7: {  	s0 =	rddreg [dreg:$0x0];
	s2 =	stileid.u32  }
0xd8: {  	s1 =	rddreg [dreg:$0x1];
	p0 =	sne.s32 s2, $0x0  }
0xd9: {  	s3 =	rddreg [dreg:$0x2];
	[bflag:$0x3] =	sbarrier.arrive $0xFFFF;
	s2 =	simm.s32 @!p0 $0x1C0A  }
0xda: {  	[timem:s3], [sflag:s2] =	dma.local @!p0 [hbm:s0], s1  }
0xdb: {  	s0 =	simm.s32 @!p0 $0xA  }
0xdc: {  	_ =	swait.ge @!p0 [sflag:s0], s1  }
0xdd: {  	s1 =	ssub.s32 @!p0 $0x0, s1;
	[sflag:s0] =	ssyncset.done @!p0 $0x0  }
0xde: {  	[sflag:s0] =	ssyncadd.s32 @!p0 s1  }
0xdf: {  	[bflag:$0x3] =	sbarrier.arrive $0xFFFF  }
0xe0: {  	_ =	shalt  }

</sc_bundles>
